<compile_context>
chip_gen: v7x
topology: tpu7x:2x2x1
jax: 0.10.2.dev20260603
libtpu: 0.0.44.dev20260713+nightly
codegen_flags: <defaults>
</compile_context>

<pallas_src>
import functools

import jax
import jax.numpy as jnp
from jax import lax
from jax.experimental import pallas as pl
from jax.experimental.pallas import tpu as pltpu
from jax.experimental.pallas import tpu_sc as plsc

NC = 2
NS = 16
C_AGG = 256
C_DEG = 512


def _sc_aggregate(table, srcw, dstw, n_trash, n_pad):
    C = C_AGG
    D = table.shape[1]
    NT = table.shape[0]
    tpt = NT // NS
    LR = srcw.shape[1]
    K = -(-LR // C)
    tail = K * C - LR
    rpt = n_pad // NS
    dt = table.dtype
    zeros = jnp.zeros((rpt, D), dt)
    mesh = plsc.VectorSubcoreMesh(core_axis_name="c", subcore_axis_name="s")

    @functools.partial(
        pl.kernel,
        out_type=jax.ShapeDtypeStruct((NC, n_pad, D), dt),
        mesh=mesh,
        scratch_types=[
            pltpu.VMEM((K * C,), jnp.int32),
            pltpu.VMEM((K * C,), jnp.int32),
            pltpu.VMEM((1, C, D), dt),
            pltpu.VMEM_SHARED((NT, D), dt),
            pltpu.VMEM_SHARED((n_pad, D), dt),
        ] + [pltpu.SemaphoreType.DMA],
        compiler_params=pltpu.CompilerParams(use_tc_tiling_on_sc=False),
    )
    def agg(table_hbm, srcw_hbm, dstw_hbm, zeros_hbm, out_hbm,
            srcv, dstv, rows, tbl, acc, *sems):
        gsem = sems
        cid = lax.axis_index("c")
        sid = lax.axis_index("s")
        w = cid * NS + sid
        pltpu.sync_copy(table_hbm.at[pl.ds(sid * tpt, tpt)],
                        tbl.at[pl.ds(sid * tpt, tpt)])
        pltpu.sync_copy(zeros_hbm, acc.at[pl.ds(sid * rpt, rpt)])
        pltpu.sync_copy(srcw_hbm.at[w], srcv.at[pl.ds(0, LR)])
        pltpu.sync_copy(dstw_hbm.at[w], dstv.at[pl.ds(0, LR)])
        for i in range(tail // 16):
            srcv[pl.ds(LR + i * 16, 16)] = jnp.zeros((16,), jnp.int32)
            dstv[pl.ds(LR + i * 16, 16)] = jnp.full((16,), n_trash, jnp.int32)
        plsc.subcore_barrier()

        def chunk(j, carry):
            pltpu.async_copy(
                tbl.at[srcv.at[pl.ds(j * C, C)]], rows.at[0], gsem[0]).wait()
            pltpu.sync_copy(
                rows.at[0], acc.at[dstv.at[pl.ds(j * C, C)]], add=True)
            return carry

        lax.fori_loop(0, K, chunk, 0)
        plsc.subcore_barrier()
        pltpu.sync_copy(acc.at[pl.ds(sid * rpt, rpt)],
                        out_hbm.at[cid, pl.ds(sid * rpt, rpt)])

    return agg(table, srcw, dstw, zeros)


def _sc_degree(dstw, n_trash, n_pad):
    C = C_DEG
    DD = 8
    LR = dstw.shape[1]
    K = -(-LR // C)
    tail = K * C - LR
    rpt = n_pad // NS
    zeros = jnp.zeros((rpt, DD), jnp.bfloat16)
    ones = jnp.ones((C, DD), jnp.bfloat16)
    mesh = plsc.VectorSubcoreMesh(core_axis_name="c", subcore_axis_name="s")

    @functools.partial(
        pl.kernel,
        out_type=jax.ShapeDtypeStruct((NC, n_pad, DD), jnp.bfloat16),
        mesh=mesh,
        scratch_types=[
            pltpu.VMEM((K * C,), jnp.int32),
            pltpu.VMEM((C, DD), jnp.bfloat16),
            pltpu.VMEM_SHARED((n_pad, DD), jnp.bfloat16),
        ],
        compiler_params=pltpu.CompilerParams(use_tc_tiling_on_sc=False),
    )
    def deg(dstw_hbm, zeros_hbm, ones_hbm, out_hbm, dstv, onesv, acc):
        cid = lax.axis_index("c")
        sid = lax.axis_index("s")
        w = cid * NS + sid
        pltpu.sync_copy(zeros_hbm, acc.at[pl.ds(sid * rpt, rpt)])
        pltpu.sync_copy(dstw_hbm.at[w], dstv.at[pl.ds(0, LR)])
        pltpu.sync_copy(ones_hbm, onesv)
        for i in range(tail // 16):
            dstv[pl.ds(LR + i * 16, 16)] = jnp.full((16,), n_trash, jnp.int32)
        plsc.subcore_barrier()

        def chunk(j, carry):
            pltpu.sync_copy(onesv, acc.at[dstv.at[pl.ds(j * C, C)]], add=True)
            return carry

        lax.fori_loop(0, K, chunk, 0)
        plsc.subcore_barrier()
        pltpu.sync_copy(acc.at[pl.ds(sid * rpt, rpt)],
                        out_hbm.at[cid, pl.ds(sid * rpt, rpt)])

    return deg(dstw, zeros, ones)


def _dinv_block(degp):
    deg = (degp[0, :, 0:1] + degp[1, :, 0:1]).astype(jnp.float32) + 1.0
    return lax.rsqrt(deg)


def _row_block(n):
    for r in (2000, 1600, 1250, 1000, 800, 640, 625, 500, 400, 250, 200, 125, 100):
        if n % r == 0:
            return r
    return n


def _tc_layer1(x, W1, degp, n_pad):
    N, D_IN = x.shape
    D_HID = W1.shape[1]
    R = _row_block(N)

    def body(x_ref, w1_ref, degp_ref, hs_ref, dinvb_ref):
        dinv = _dinv_block(degp_ref[...])
        h = jnp.dot(x_ref[...], w1_ref[...], preferred_element_type=jnp.float32)
        hs_ref[...] = (h * dinv).astype(jnp.bfloat16)
        dinvb_ref[...] = jnp.broadcast_to(dinv, (R, D_HID)).astype(jnp.bfloat16)

    return pl.pallas_call(
        body,
        grid=(N // R,),
        in_specs=[
            pl.BlockSpec((R, D_IN), lambda j: (j, 0)),
            pl.BlockSpec((D_IN, D_HID), lambda j: (0, 0)),
            pl.BlockSpec((NC, R, 8), lambda j: (0, j, 0)),
        ],
        out_specs=[
            pl.BlockSpec((R, D_HID), lambda j: (j, 0)),
            pl.BlockSpec((R, D_HID), lambda j: (j, 0)),
        ],
        out_shape=[
            jax.ShapeDtypeStruct((N, D_HID), jnp.bfloat16),
            jax.ShapeDtypeStruct((N, D_HID), jnp.bfloat16),
        ],
    )(x, W1, degp)


def _tc_layer2(hs, aggp, dinvb, b1, W2, n_pad):
    N, D_HID = hs.shape
    D_OUT = W2.shape[1]
    R = _row_block(N)

    def body(hs_ref, aggp_ref, dinvb_ref, b1_ref, w2_ref, ts_ref):
        dinv = dinvb_ref[...].astype(jnp.float32)
        s = (aggp_ref[0] + aggp_ref[1] + hs_ref[...]).astype(jnp.float32)
        h1 = jnp.maximum(s * dinv + b1_ref[...], 0.0)
        t = jnp.dot(h1, w2_ref[...], preferred_element_type=jnp.float32)
        ts_ref[...] = (t * dinv[:, :D_OUT]).astype(jnp.bfloat16)

    return pl.pallas_call(
        body,
        grid=(N // R,),
        in_specs=[
            pl.BlockSpec((R, D_HID), lambda j: (j, 0)),
            pl.BlockSpec((NC, R, D_HID), lambda j: (0, j, 0)),
            pl.BlockSpec((R, D_HID), lambda j: (j, 0)),
            pl.BlockSpec((1, D_HID), lambda j: (0, 0)),
            pl.BlockSpec((D_HID, D_OUT), lambda j: (0, 0)),
        ],
        out_specs=pl.BlockSpec((R, D_OUT), lambda j: (j, 0)),
        out_shape=jax.ShapeDtypeStruct((N, D_OUT), jnp.bfloat16),
    )(hs, aggp, dinvb, b1.reshape(1, D_HID), W2)


def _tc_head(ts, aggp, dinvb, b2, Wfc, bfc, n_pad):
    N, D_OUT = ts.shape
    R = _row_block(N)
    G = N // R

    def body(ts_ref, aggp_ref, dinvb_ref, b2_ref, wfc_ref, bfc_ref, out_ref, acc_ref):
        j = pl.program_id(0)
        dinv = dinvb_ref[...][:, :D_OUT].astype(jnp.float32)
        s = (aggp_ref[0] + aggp_ref[1] + ts_ref[...]).astype(jnp.float32)
        h2 = jnp.maximum(s * dinv + b2_ref[...], 0.0)
        csum = jnp.sum(h2, axis=0, keepdims=True)

        @pl.when(j == 0)
        def _():
            acc_ref[...] = csum

        @pl.when(j > 0)
        def _():
            acc_ref[...] += csum

        @pl.when(j == G - 1)
        def _():
            g = acc_ref[...] * (1.0 / N)
            z = jnp.dot(g, wfc_ref[...], preferred_element_type=jnp.float32)
            z = z + bfc_ref[...]
            out_ref[...] = 1.0 / (1.0 + jnp.exp(-z))

    return pl.pallas_call(
        body,
        grid=(G,),
        in_specs=[
            pl.BlockSpec((R, D_OUT), lambda j: (j, 0)),
            pl.BlockSpec((NC, R, D_OUT), lambda j: (0, j, 0)),
            pl.BlockSpec((R, dinvb.shape[1]), lambda j: (j, 0)),
            pl.BlockSpec((1, D_OUT), lambda j: (0, 0)),
            pl.BlockSpec((D_OUT, 1), lambda j: (0, 0)),
            pl.BlockSpec((1, 1), lambda j: (0, 0)),
        ],
        out_specs=pl.BlockSpec((1, 1), lambda j: (0, 0)),
        out_shape=jax.ShapeDtypeStruct((1, 1), jnp.float32),
        scratch_shapes=[pltpu.VMEM((1, D_OUT), jnp.float32)],
    )(ts, aggp, dinvb, b2.reshape(1, D_OUT), Wfc, bfc.reshape(1, 1))


def kernel(x, edge_index, W1, b1, W2, b2, Wfc, bfc):
    N = x.shape[0]
    E = edge_index.shape[1]
    NW = NC * NS
    n_pad = -(-(N + 1) // 128) * 128

    if E % NW == 0 and (E // NW) % 16 == 0:
        src_p = edge_index[0].reshape(NW, E // NW)
        dst_p = edge_index[1].reshape(NW, E // NW)
    else:
        L = -(-E // (NW * 16)) * 16
        pad = NW * L - E
        src_p = jnp.concatenate(
            [edge_index[0], jnp.zeros((pad,), jnp.int32)]).reshape(NW, L)
        dst_p = jnp.concatenate(
            [edge_index[1], jnp.full((pad,), N, jnp.int32)]).reshape(NW, L)

    def pad_rows(a):
        nt = -(-a.shape[0] // NS) * NS
        if nt == a.shape[0]:
            return a
        return jnp.concatenate(
            [a, jnp.zeros((nt - a.shape[0], a.shape[1]), a.dtype)])

    degp = _sc_degree(dst_p, N, n_pad)
    hs, dinvb = _tc_layer1(x, W1, degp, n_pad)
    agg1 = _sc_aggregate(pad_rows(hs), src_p, dst_p, N, n_pad)
    ts = _tc_layer2(hs, agg1, dinvb, b1, W2, n_pad)
    agg2 = _sc_aggregate(pad_rows(ts), src_p, dst_p, N, n_pad)
    out = _tc_head(ts, agg2, dinvb, b2, Wfc, bfc, n_pad)
    return out.reshape(1)

# --- scband reference (transcript-rebuilt; emitter-appended) ---
"""Pipeline reference for scband-gnnmodel-3882650436959 (READ-ONLY COPY).

The authoritative reference and input builder live on the scoring server;
editing this copy changes nothing except your own understanding.
"""

import jax, jax.numpy as jnp
import numpy as np

N = 10000
E = 320000
D_IN = 128
D_HID = 64
D_OUT = 32

def setup_inputs(seed: int = 0):
    key = jax.random.key(seed)
    ks = jax.random.split(key, 8)
    x = jax.random.normal(ks[0], (N, D_IN), dtype=jnp.float32)
    edge_index = jax.random.randint(ks[1], (2, E), 0, N, dtype=jnp.int32)
    s1 = 1.0 / np.sqrt(D_IN)
    W1 = jax.random.uniform(ks[2], (D_IN, D_HID), minval=-s1, maxval=s1, dtype=jnp.float32)
    b1 = jnp.zeros((D_HID,), dtype=jnp.float32)
    s2 = 1.0 / np.sqrt(D_HID)
    W2 = jax.random.uniform(ks[3], (D_HID, D_OUT), minval=-s2, maxval=s2, dtype=jnp.float32)
    b2 = jnp.zeros((D_OUT,), dtype=jnp.float32)
    s3 = 1.0 / np.sqrt(D_OUT)
    Wfc = jax.random.uniform(ks[4], (D_OUT, 1), minval=-s3, maxval=s3, dtype=jnp.float32)
    bfc = jnp.zeros((1,), dtype=jnp.float32)
    return {"x": x, "edge_index": edge_index, "W1": W1, "b1": b1, "W2": W2, "b2": b2, "Wfc": Wfc, "bfc": bfc}

def _gcn_conv(x, W, b, src, dst, num_nodes):
    # GCNConv with symmetric normalization and self-loops (self-loops added by caller)
    h = x @ W
    deg = jnp.zeros((num_nodes,), dtype=x.dtype).at[dst].add(1.0)
    dinv = jnp.where(deg > 0, 1.0 / jnp.sqrt(deg), 0.0)
    norm = dinv[src] * dinv[dst]
    msg = h[src] * norm[:, None]
    out = jnp.zeros((num_nodes, W.shape[1]), dtype=x.dtype).at[dst].add(msg)
    return out + b

def reference(x, edge_index, W1, b1, W2, b2, Wfc, bfc):
    loop = jnp.arange(N, dtype=edge_index.dtype)
    src = jnp.concatenate([edge_index[0], loop])
    dst = jnp.concatenate([edge_index[1], loop])
    h = jax.nn.relu(_gcn_conv(x, W1, b1, src, dst, N))
    h = jax.nn.relu(_gcn_conv(h, W2, b2, src, dst, N))
    g = jnp.mean(h, axis=0)
    out = g @ Wfc + bfc
    return jax.nn.sigmoid(out)

if __name__ == "__main__":
    import jax
    _d = setup_inputs()
    print(jax.jit(kernel)(*tuple(_d.values())))

</pallas_src>

<mosaic_0001>
#map = affine_map<(d0, d1) -> (0, 0)>
#map1 = affine_map<(d0, d1) -> (0, 0, 0)>
module attributes {stable_mosaic.version = 14 : i64} {
  func.func @agg(%arg0: i32, %arg1: i32, %arg2: memref<10000x64xbf16, #tpu.memory_space<hbm>>, %arg3: memref<32x10000xi32, #tpu.memory_space<hbm>>, %arg4: memref<32x10000xi32, #tpu.memory_space<hbm>>, %arg5: memref<632x64xbf16, #tpu.memory_space<hbm>>, %arg6: memref<2x10112x64xbf16, #tpu.memory_space<hbm>>, %arg7: memref<10240xi32, #tpu.memory_space<vmem>>, %arg8: memref<10240xi32, #tpu.memory_space<vmem>>, %arg9: memref<1x256x64xbf16, #tpu.memory_space<vmem>>, %arg10: memref<10000x64xbf16, #tpu.memory_space<vmem_shared>>, %arg11: memref<10112x64xbf16, #tpu.memory_space<vmem_shared>>, %arg12: memref<!tpu.dma_semaphore, #tpu.memory_space<semaphore_mem>>) attributes {dimension_semantics = [#tpu.dimension_semantics<core_parallel>, #tpu.dimension_semantics<subcore_parallel>], iteration_bounds = array<i64: 2, 16>, scalar_prefetch = 0 : i64, scratch_operands = 6 : i64, tpu.core_type = #tpu.core_type<sc_vector_subcore>, window_params = [{transform_indices = #map}, {transform_indices = #map}, {transform_indices = #map}, {transform_indices = #map}, {transform_indices = #map1}]} {
    %mul3A = arith.constant 16 : i32
    %mul3A_0 = arith.muli %arg0, %mul3A : i32
    %add3A = arith.addi %mul3A_0, %arg1 : i32
    %mul3A_1 = arith.constant 625 : i32
    %mul3A_2 = arith.muli %arg1, %mul3A_1 : i32
    %mul3A_3 = arith.constant 625 : i32
    %mul3A_4 = arith.muli %arg1, %mul3A_3 : i32
    "tpu.region"() ({
      %run_scoped3A = tpu.sem_alloc : memref<!tpu.dma_semaphore, #tpu.memory_space<semaphore_mem>>
      %dma_start3A = arith.constant 0 : i32
      %dma_start3A_195 = tpu.memref_slice %arg10[%mul3A_4, %dma_start3A] : memref<10000x64xbf16, #tpu.memory_space<vmem_shared>> -> memref<625x64xbf16, #tpu.memory_space<vmem_shared>>
      %dma_start3A_196 = arith.constant 0 : i32
      %dma_start3A_197 = tpu.memref_slice %arg2[%mul3A_2, %dma_start3A_196] : memref<10000x64xbf16, #tpu.memory_space<hbm>> -> memref<625x64xbf16, #tpu.memory_space<hbm>>
      tpu.enqueue_dma source(%dma_start3A_197 : memref<625x64xbf16, #tpu.memory_space<hbm>>) target(%dma_start3A_195 : memref<625x64xbf16, #tpu.memory_space<vmem_shared>>) target_semaphore(%run_scoped3A : memref<!tpu.dma_semaphore, #tpu.memory_space<semaphore_mem>>)
      %dma_wait3A = arith.constant 0 : i32
      %dma_wait3A_198 = tpu.memref_slice %arg10[%mul3A_4, %dma_wait3A] : memref<10000x64xbf16, #tpu.memory_space<vmem_shared>> -> memref<625x64xbf16, #tpu.memory_space<vmem_shared>>
      %dma_wait3A_199 = arith.constant 0 : i32
      %dma_wait3A_200 = tpu.memref_slice %arg2[%mul3A_2, %dma_wait3A_199] : memref<10000x64xbf16, #tpu.memory_space<hbm>> -> memref<625x64xbf16, #tpu.memory_space<hbm>>
      tpu.wait_dma2 semaphore(%run_scoped3A : memref<!tpu.dma_semaphore, #tpu.memory_space<semaphore_mem>>) src(%dma_wait3A_200 : memref<625x64xbf16, #tpu.memory_space<hbm>>) dst(%dma_wait3A_198 : memref<625x64xbf16, #tpu.memory_space<vmem_shared>>)
      tpu.yield
    }) : () -> ()
    %mul3A_5 = arith.constant 632 : i32
    %mul3A_6 = arith.muli %arg1, %mul3A_5 : i32
    "tpu.region"() ({
      %run_scoped3A = tpu.sem_alloc : memref<!tpu.dma_semaphore, #tpu.memory_space<semaphore_mem>>
      %dma_start3A = arith.constant 0 : i32
      %dma_start3A_195 = tpu.memref_slice %arg11[%mul3A_6, %dma_start3A] : memref<10112x64xbf16, #tpu.memory_space<vmem_shared>> -> memref<632x64xbf16, #tpu.memory_space<vmem_shared>>
      tpu.enqueue_dma source(%arg5 : memref<632x64xbf16, #tpu.memory_space<hbm>>) target(%dma_start3A_195 : memref<632x64xbf16, #tpu.memory_space<vmem_shared>>) target_semaphore(%run_scoped3A : memref<!tpu.dma_semaphore, #tpu.memory_space<semaphore_mem>>)
      %dma_wait3A = arith.constant 0 : i32
      %dma_wait3A_196 = tpu.memref_slice %arg11[%mul3A_6, %dma_wait3A] : memref<10112x64xbf16, #tpu.memory_space<vmem_shared>> -> memref<632x64xbf16, #tpu.memory_space<vmem_shared>>
      tpu.wait_dma2 semaphore(%run_scoped3A : memref<!tpu.dma_semaphore, #tpu.memory_space<semaphore_mem>>) src(%arg5 : memref<632x64xbf16, #tpu.memory_space<hbm>>) dst(%dma_wait3A_196 : memref<632x64xbf16, #tpu.memory_space<vmem_shared>>)
      tpu.yield
    }) : () -> ()
    "tpu.region"() ({
      %run_scoped3A = tpu.sem_alloc : memref<!tpu.dma_semaphore, #tpu.memory_space<semaphore_mem>>
      %dma_start3A = arith.constant 0 : i32
      %dma_start3A_195 = tpu.memref_slice %arg7[%dma_start3A] : memref<10240xi32, #tpu.memory_space<vmem>> -> memref<10000xi32, #tpu.memory_space<vmem>>
      %dma_start3A_196 = arith.constant 0 : i32
      %dma_start3A_197 = tpu.memref_slice %arg3[%add3A, %dma_start3A_196] : memref<32x10000xi32, #tpu.memory_space<hbm>> -> memref<1x10000xi32, #tpu.memory_space<hbm>>
      %dma_start3A_198 = tpu.memref_squeeze %dma_start3A_197 : memref<1x10000xi32, #tpu.memory_space<hbm>> -> memref<10000xi32, #tpu.memory_space<hbm>>
      %dma_start3A_199 = arith.constant 0 : i32
      %dma_start3A_200 = tpu.memref_slice %arg7[%dma_start3A_199] : memref<10240xi32, #tpu.memory_space<vmem>> -> memref<10000xi32, #tpu.memory_space<vmem>>
      %dma_start3A_201 = arith.constant 0 : i32
      %dma_start3A_202 = tpu.memref_slice %arg3[%add3A, %dma_start3A_201] : memref<32x10000xi32, #tpu.memory_space<hbm>> -> memref<1x10000xi32, #tpu.memory_space<hbm>>
      %dma_start3A_203 = tpu.memref_squeeze %dma_start3A_202 : memref<1x10000xi32, #tpu.memory_space<hbm>> -> memref<10000xi32, #tpu.memory_space<hbm>>
      tpu.enqueue_dma source(%dma_start3A_203 : memref<10000xi32, #tpu.memory_space<hbm>>) target(%dma_start3A_200 : memref<10000xi32, #tpu.memory_space<vmem>>) target_semaphore(%run_scoped3A : memref<!tpu.dma_semaphore, #tpu.memory_space<semaphore_mem>>)
      %dma_wait3A = arith.constant 0 : i32
      %dma_wait3A_204 = tpu.memref_slice %arg7[%dma_wait3A] : memref<10240xi32, #tpu.memory_space<vmem>> -> memref<10000xi32, #tpu.memory_space<vmem>>
      %dma_wait3A_205 = arith.constant 0 : i32
      %dma_wait3A_206 = tpu.memref_slice %arg3[%add3A, %dma_wait3A_205] : memref<32x10000xi32, #tpu.memory_space<hbm>> -> memref<1x10000xi32, #tpu.memory_space<hbm>>
      %dma_wait3A_207 = tpu.memref_squeeze %dma_wait3A_206 : memref<1x10000xi32, #tpu.memory_space<hbm>> -> memref<10000xi32, #tpu.memory_space<hbm>>
      %dma_wait3A_208 = arith.constant 0 : i32
      %dma_wait3A_209 = tpu.memref_slice %arg7[%dma_wait3A_208] : memref<10240xi32, #tpu.memory_space<vmem>> -> memref<10000xi32, #tpu.memory_space<vmem>>
      %dma_wait3A_210 = arith.constant 0 : i32
      %dma_wait3A_211 = tpu.memref_slice %arg3[%add3A, %dma_wait3A_210] : memref<32x10000xi32, #tpu.memory_space<hbm>> -> memref<1x10000xi32, #tpu.memory_space<hbm>>
      %dma_wait3A_212 = tpu.memref_squeeze %dma_wait3A_211 : memref<1x10000xi32, #tpu.memory_space<hbm>> -> memref<10000xi32, #tpu.memory_space<hbm>>
      tpu.wait_dma2 semaphore(%run_scoped3A : memref<!tpu.dma_semaphore, #tpu.memory_space<semaphore_mem>>) src(%dma_wait3A_212 : memref<10000xi32, #tpu.memory_space<hbm>>) dst(%dma_wait3A_209 : memref<10000xi32, #tpu.memory_space<vmem>>)
      tpu.yield
    }) : () -> ()
    "tpu.region"() ({
      %run_scoped3A = tpu.sem_alloc : memref<!tpu.dma_semaphore, #tpu.memory_space<semaphore_mem>>
      %dma_start3A = arith.constant 0 : i32
      %dma_start3A_195 = tpu.memref_slice %arg8[%dma_start3A] : memref<10240xi32, #tpu.memory_space<vmem>> -> memref<10000xi32, #tpu.memory_space<vmem>>
      %dma_start3A_196 = arith.constant 0 : i32
      %dma_start3A_197 = tpu.memref_slice %arg4[%add3A, %dma_start3A_196] : memref<32x10000xi32, #tpu.memory_space<hbm>> -> memref<1x10000xi32, #tpu.memory_space<hbm>>
      %dma_start3A_198 = tpu.memref_squeeze %dma_start3A_197 : memref<1x10000xi32, #tpu.memory_space<hbm>> -> memref<10000xi32, #tpu.memory_space<hbm>>
      %dma_start3A_199 = arith.constant 0 : i32
      %dma_start3A_200 = tpu.memref_slice %arg8[%dma_start3A_199] : memref<10240xi32, #tpu.memory_space<vmem>> -> memref<10000xi32, #tpu.memory_space<vmem>>
      %dma_start3A_201 = arith.constant 0 : i32
      %dma_start3A_202 = tpu.memref_slice %arg4[%add3A, %dma_start3A_201] : memref<32x10000xi32, #tpu.memory_space<hbm>> -> memref<1x10000xi32, #tpu.memory_space<hbm>>
      %dma_start3A_203 = tpu.memref_squeeze %dma_start3A_202 : memref<1x10000xi32, #tpu.memory_space<hbm>> -> memref<10000xi32, #tpu.memory_space<hbm>>
      tpu.enqueue_dma source(%dma_start3A_203 : memref<10000xi32, #tpu.memory_space<hbm>>) target(%dma_start3A_200 : memref<10000xi32, #tpu.memory_space<vmem>>) target_semaphore(%run_scoped3A : memref<!tpu.dma_semaphore, #tpu.memory_space<semaphore_mem>>)
      %dma_wait3A = arith.constant 0 : i32
      %dma_wait3A_204 = tpu.memref_slice %arg8[%dma_wait3A] : memref<10240xi32, #tpu.memory_space<vmem>> -> memref<10000xi32, #tpu.memory_space<vmem>>
      %dma_wait3A_205 = arith.constant 0 : i32
      %dma_wait3A_206 = tpu.memref_slice %arg4[%add3A, %dma_wait3A_205] : memref<32x10000xi32, #tpu.memory_space<hbm>> -> memref<1x10000xi32, #tpu.memory_space<hbm>>
      %dma_wait3A_207 = tpu.memref_squeeze %dma_wait3A_206 : memref<1x10000xi32, #tpu.memory_space<hbm>> -> memref<10000xi32, #tpu.memory_space<hbm>>
      %dma_wait3A_208 = arith.constant 0 : i32
      %dma_wait3A_209 = tpu.memref_slice %arg8[%dma_wait3A_208] : memref<10240xi32, #tpu.memory_space<vmem>> -> memref<10000xi32, #tpu.memory_space<vmem>>
      %dma_wait3A_210 = arith.constant 0 : i32
      %dma_wait3A_211 = tpu.memref_slice %arg4[%add3A, %dma_wait3A_210] : memref<32x10000xi32, #tpu.memory_space<hbm>> -> memref<1x10000xi32, #tpu.memory_space<hbm>>
      %dma_wait3A_212 = tpu.memref_squeeze %dma_wait3A_211 : memref<1x10000xi32, #tpu.memory_space<hbm>> -> memref<10000xi32, #tpu.memory_space<hbm>>
      tpu.wait_dma2 semaphore(%run_scoped3A : memref<!tpu.dma_semaphore, #tpu.memory_space<semaphore_mem>>) src(%dma_wait3A_212 : memref<10000xi32, #tpu.memory_space<hbm>>) dst(%dma_wait3A_209 : memref<10000xi32, #tpu.memory_space<vmem>>)
      tpu.yield
    }) : () -> ()
    %broadcast_in_dim3A = arith.constant 0 : i32
    %broadcast_in_dim3A_7 = vector.broadcast %broadcast_in_dim3A : i32 to vector<16xi32>
    %swap3A = arith.constant 10000 : index
    %swap3A_8 = tpu.vector_load %arg7[%swap3A] {strides = array<i32>} : memref<10240xi32, #tpu.memory_space<vmem>>, vector<16xi32>,
    %swap3A_9 = vector.shape_cast %swap3A_8 : vector<16xi32> to vector<16xi32>
    %swap3A_10 = vector.shape_cast %broadcast_in_dim3A_7 : vector<16xi32> to vector<16xi32>
    tpu.vector_store %arg7[%swap3A], %swap3A_10 {strides = array<i32>} : memref<10240xi32, #tpu.memory_space<vmem>>, vector<16xi32>,
    %broadcast_in_dim3A_11 = arith.constant 10000 : i32
    %broadcast_in_dim3A_12 = vector.broadcast %broadcast_in_dim3A_11 : i32 to vector<16xi32>
    %swap3A_13 = arith.constant 10000 : index
    %swap3A_14 = tpu.vector_load %arg8[%swap3A_13] {strides = array<i32>} : memref<10240xi32, #tpu.memory_space<vmem>>, vector<16xi32>,
    %swap3A_15 = vector.shape_cast %swap3A_14 : vector<16xi32> to vector<16xi32>
    %swap3A_16 = vector.shape_cast %broadcast_in_dim3A_12 : vector<16xi32> to vector<16xi32>
    tpu.vector_store %arg8[%swap3A_13], %swap3A_16 {strides = array<i32>} : memref<10240xi32, #tpu.memory_space<vmem>>, vector<16xi32>,
    %broadcast_in_dim3A_17 = arith.constant 0 : i32
    %broadcast_in_dim3A_18 = vector.broadcast %broadcast_in_dim3A_17 : i32 to vector<16xi32>
    %swap3A_19 = arith.constant 10016 : index
    %swap3A_20 = tpu.vector_load %arg7[%swap3A_19] {strides = array<i32>} : memref<10240xi32, #tpu.memory_space<vmem>>, vector<16xi32>,
    %swap3A_21 = vector.shape_cast %swap3A_20 : vector<16xi32> to vector<16xi32>
    %swap3A_22 = vector.shape_cast %broadcast_in_dim3A_18 : vector<16xi32> to vector<16xi32>
    tpu.vector_store %arg7[%swap3A_19], %swap3A_22 {strides = array<i32>} : memref<10240xi32, #tpu.memory_space<vmem>>, vector<16xi32>,
    %broadcast_in_dim3A_23 = arith.constant 10000 : i32
    %broadcast_in_dim3A_24 = vector.broadcast %broadcast_in_dim3A_23 : i32 to vector<16xi32>
    %swap3A_25 = arith.constant 10016 : index
    %swap3A_26 = tpu.vector_load %arg8[%swap3A_25] {strides = array<i32>} : memref<10240xi32, #tpu.memory_space<vmem>>, vector<16xi32>,
    %swap3A_27 = vector.shape_cast %swap3A_26 : vector<16xi32> to vector<16xi32>
    %swap3A_28 = vector.shape_cast %broadcast_in_dim3A_24 : vector<16xi32> to vector<16xi32>
    tpu.vector_store %arg8[%swap3A_25], %swap3A_28 {strides = array<i32>} : memref<10240xi32, #tpu.memory_space<vmem>>, vector<16xi32>,
    %broadcast_in_dim3A_29 = arith.constant 0 : i32
    %broadcast_in_dim3A_30 = vector.broadcast %broadcast_in_dim3A_29 : i32 to vector<16xi32>
    %swap3A_31 = arith.constant 10032 : index
    %swap3A_32 = tpu.vector_load %arg7[%swap3A_31] {strides = array<i32>} : memref<10240xi32, #tpu.memory_space<vmem>>, vector<16xi32>,
    %swap3A_33 = vector.shape_cast %swap3A_32 : vector<16xi32> to vector<16xi32>
    %swap3A_34 = vector.shape_cast %broadcast_in_dim3A_30 : vector<16xi32> to vector<16xi32>
    tpu.vector_store %arg7[%swap3A_31], %swap3A_34 {strides = array<i32>} : memref<10240xi32, #tpu.memory_space<vmem>>, vector<16xi32>,
    %broadcast_in_dim3A_35 = arith.constant 10000 : i32
    %broadcast_in_dim3A_36 = vector.broadcast %broadcast_in_dim3A_35 : i32 to vector<16xi32>
    %swap3A_37 = arith.constant 10032 : index
    %swap3A_38 = tpu.vector_load %arg8[%swap3A_37] {strides = array<i32>} : memref<10240xi32, #tpu.memory_space<vmem>>, vector<16xi32>,
    %swap3A_39 = vector.shape_cast %swap3A_38 : vector<16xi32> to vector<16xi32>
    %swap3A_40 = vector.shape_cast %broadcast_in_dim3A_36 : vector<16xi32> to vector<16xi32>
    tpu.vector_store %arg8[%swap3A_37], %swap3A_40 {strides = array<i32>} : memref<10240xi32, #tpu.memory_space<vmem>>, vector<16xi32>,
    %broadcast_in_dim3A_41 = arith.constant 0 : i32
    %broadcast_in_dim3A_42 = vector.broadcast %broadcast_in_dim3A_41 : i32 to vector<16xi32>
    %swap3A_43 = arith.constant 10048 : index
    %swap3A_44 = tpu.vector_load %arg7[%swap3A_43] {strides = array<i32>} : memref<10240xi32, #tpu.memory_space<vmem>>, vector<16xi32>,
    %swap3A_45 = vector.shape_cast %swap3A_44 : vector<16xi32> to vector<16xi32>
    %swap3A_46 = vector.shape_cast %broadcast_in_dim3A_42 : vector<16xi32> to vector<16xi32>
    tpu.vector_store %arg7[%swap3A_43], %swap3A_46 {strides = array<i32>} : memref<10240xi32, #tpu.memory_space<vmem>>, vector<16xi32>,
    %broadcast_in_dim3A_47 = arith.constant 10000 : i32
    %broadcast_in_dim3A_48 = vector.broadcast %broadcast_in_dim3A_47 : i32 to vector<16xi32>
    %swap3A_49 = arith.constant 10048 : index
    %swap3A_50 = tpu.vector_load %arg8[%swap3A_49] {strides = array<i32>} : memref<10240xi32, #tpu.memory_space<vmem>>, vector<16xi32>,
    %swap3A_51 = vector.shape_cast %swap3A_50 : vector<16xi32> to vector<16xi32>
    %swap3A_52 = vector.shape_cast %broadcast_in_dim3A_48 : vector<16xi32> to vector<16xi32>
    tpu.vector_store %arg8[%swap3A_49], %swap3A_52 {strides = array<i32>} : memref<10240xi32, #tpu.memory_space<vmem>>, vector<16xi32>,
    %broadcast_in_dim3A_53 = arith.constant 0 : i32
    %broadcast_in_dim3A_54 = vector.broadcast %broadcast_in_dim3A_53 : i32 to vector<16xi32>
    %swap3A_55 = arith.constant 10064 : index
    %swap3A_56 = tpu.vector_load %arg7[%swap3A_55] {strides = array<i32>} : memref<10240xi32, #tpu.memory_space<vmem>>, vector<16xi32>,
    %swap3A_57 = vector.shape_cast %swap3A_56 : vector<16xi32> to vector<16xi32>
    %swap3A_58 = vector.shape_cast %broadcast_in_dim3A_54 : vector<16xi32> to vector<16xi32>
    tpu.vector_store %arg7[%swap3A_55], %swap3A_58 {strides = array<i32>} : memref<10240xi32, #tpu.memory_space<vmem>>, vector<16xi32>,
    %broadcast_in_dim3A_59 = arith.constant 10000 : i32
    %broadcast_in_dim3A_60 = vector.broadcast %broadcast_in_dim3A_59 : i32 to vector<16xi32>
    %swap3A_61 = arith.constant 10064 : index
    %swap3A_62 = tpu.vector_load %arg8[%swap3A_61] {strides = array<i32>} : memref<10240xi32, #tpu.memory_space<vmem>>, vector<16xi32>,
    %swap3A_63 = vector.shape_cast %swap3A_62 : vector<16xi32> to vector<16xi32>
    %swap3A_64 = vector.shape_cast %broadcast_in_dim3A_60 : vector<16xi32> to vector<16xi32>
    tpu.vector_store %arg8[%swap3A_61], %swap3A_64 {strides = array<i32>} : memref<10240xi32, #tpu.memory_space<vmem>>, vector<16xi32>,
    %broadcast_in_dim3A_65 = arith.constant 0 : i32
    %broadcast_in_dim3A_66 = vector.broadcast %broadcast_in_dim3A_65 : i32 to vector<16xi32>
    %swap3A_67 = arith.constant 10080 : index
    %swap3A_68 = tpu.vector_load %arg7[%swap3A_67] {strides = array<i32>} : memref<10240xi32, #tpu.memory_space<vmem>>, vector<16xi32>,
    %swap3A_69 = vector.shape_cast %swap3A_68 : vector<16xi32> to vector<16xi32>
    %swap3A_70 = vector.shape_cast %broadcast_in_dim3A_66 : vector<16xi32> to vector<16xi32>
    tpu.vector_store %arg7[%swap3A_67], %swap3A_70 {strides = array<i32>} : memref<10240xi32, #tpu.memory_space<vmem>>, vector<16xi32>,
    %broadcast_in_dim3A_71 = arith.constant 10000 : i32
    %broadcast_in_dim3A_72 = vector.broadcast %broadcast_in_dim3A_71 : i32 to vector<16xi32>
    %swap3A_73 = arith.constant 10080 : index
    %swap3A_74 = tpu.vector_load %arg8[%swap3A_73] {strides = array<i32>} : memref<10240xi32, #tpu.memory_space<vmem>>, vector<16xi32>,
    %swap3A_75 = vector.shape_cast %swap3A_74 : vector<16xi32> to vector<16xi32>
    %swap3A_76 = vector.shape_cast %broadcast_in_dim3A_72 : vector<16xi32> to vector<16xi32>
    tpu.vector_store %arg8[%swap3A_73], %swap3A_76 {strides = array<i32>} : memref<10240xi32, #tpu.memory_space<vmem>>, vector<16xi32>,
    %broadcast_in_dim3A_77 = arith.constant 0 : i32
    %broadcast_in_dim3A_78 = vector.broadcast %broadcast_in_dim3A_77 : i32 to vector<16xi32>
    %swap3A_79 = arith.constant 10096 : index
    %swap3A_80 = tpu.vector_load %arg7[%swap3A_79] {strides = array<i32>} : memref<10240xi32, #tpu.memory_space<vmem>>, vector<16xi32>,
    %swap3A_81 = vector.shape_cast %swap3A_80 : vector<16xi32> to vector<16xi32>
    %swap3A_82 = vector.shape_cast %broadcast_in_dim3A_78 : vector<16xi32> to vector<16xi32>
    tpu.vector_store %arg7[%swap3A_79], %swap3A_82 {strides = array<i32>} : memref<10240xi32, #tpu.memory_space<vmem>>, vector<16xi32>,
    %broadcast_in_dim3A_83 = arith.constant 10000 : i32
    %broadcast_in_dim3A_84 = vector.broadcast %broadcast_in_dim3A_83 : i32 to vector<16xi32>
    %swap3A_85 = arith.constant 10096 : index
    %swap3A_86 = tpu.vector_load %arg8[%swap3A_85] {strides = array<i32>} : memref<10240xi32, #tpu.memory_space<vmem>>, vector<16xi32>,
    %swap3A_87 = vector.shape_cast %swap3A_86 : vector<16xi32> to vector<16xi32>
    %swap3A_88 = vector.shape_cast %broadcast_in_dim3A_84 : vector<16xi32> to vector<16xi32>
    tpu.vector_store %arg8[%swap3A_85], %swap3A_88 {strides = array<i32>} : memref<10240xi32, #tpu.memory_space<vmem>>, vector<16xi32>,
    %broadcast_in_dim3A_89 = arith.constant 0 : i32
    %broadcast_in_dim3A_90 = vector.broadcast %broadcast_in_dim3A_89 : i32 to vector<16xi32>
    %swap3A_91 = arith.constant 10112 : index
    %swap3A_92 = tpu.vector_load %arg7[%swap3A_91] {strides = array<i32>} : memref<10240xi32, #tpu.memory_space<vmem>>, vector<16xi32>,
    %swap3A_93 = vector.shape_cast %swap3A_92 : vector<16xi32> to vector<16xi32>
    %swap3A_94 = vector.shape_cast %broadcast_in_dim3A_90 : vector<16xi32> to vector<16xi32>
    tpu.vector_store %arg7[%swap3A_91], %swap3A_94 {strides = array<i32>} : memref<10240xi32, #tpu.memory_space<vmem>>, vector<16xi32>,
    %broadcast_in_dim3A_95 = arith.constant 10000 : i32
    %broadcast_in_dim3A_96 = vector.broadcast %broadcast_in_dim3A_95 : i32 to vector<16xi32>
    %swap3A_97 = arith.constant 10112 : index
    %swap3A_98 = tpu.vector_load %arg8[%swap3A_97] {strides = array<i32>} : memref<10240xi32, #tpu.memory_space<vmem>>, vector<16xi32>,
    %swap3A_99 = vector.shape_cast %swap3A_98 : vector<16xi32> to vector<16xi32>
    %swap3A_100 = vector.shape_cast %broadcast_in_dim3A_96 : vector<16xi32> to vector<16xi32>
    tpu.vector_store %arg8[%swap3A_97], %swap3A_100 {strides = array<i32>} : memref<10240xi32, #tpu.memory_space<vmem>>, vector<16xi32>,
    %broadcast_in_dim3A_101 = arith.constant 0 : i32
    %broadcast_in_dim3A_102 = vector.broadcast %broadcast_in_dim3A_101 : i32 to vector<16xi32>
    %swap3A_103 = arith.constant 10128 : index
    %swap3A_104 = tpu.vector_load %arg7[%swap3A_103] {strides = array<i32>} : memref<10240xi32, #tpu.memory_space<vmem>>, vector<16xi32>,
    %swap3A_105 = vector.shape_cast %swap3A_104 : vector<16xi32> to vector<16xi32>
    %swap3A_106 = vector.shape_cast %broadcast_in_dim3A_102 : vector<16xi32> to vector<16xi32>
    tpu.vector_store %arg7[%swap3A_103], %swap3A_106 {strides = array<i32>} : memref<10240xi32, #tpu.memory_space<vmem>>, vector<16xi32>,
    %broadcast_in_dim3A_107 = arith.constant 10000 : i32
    %broadcast_in_dim3A_108 = vector.broadcast %broadcast_in_dim3A_107 : i32 to vector<16xi32>
    %swap3A_109 = arith.constant 10128 : index
    %swap3A_110 = tpu.vector_load %arg8[%swap3A_109] {strides = array<i32>} : memref<10240xi32, #tpu.memory_space<vmem>>, vector<16xi32>,
    %swap3A_111 = vector.shape_cast %swap3A_110 : vector<16xi32> to vector<16xi32>
    %swap3A_112 = vector.shape_cast %broadcast_in_dim3A_108 : vector<16xi32> to vector<16xi32>
    tpu.vector_store %arg8[%swap3A_109], %swap3A_112 {strides = array<i32>} : memref<10240xi32, #tpu.memory_space<vmem>>, vector<16xi32>,
    %broadcast_in_dim3A_113 = arith.constant 0 : i32
    %broadcast_in_dim3A_114 = vector.broadcast %broadcast_in_dim3A_113 : i32 to vector<16xi32>
    %swap3A_115 = arith.constant 10144 : index
    %swap3A_116 = tpu.vector_load %arg7[%swap3A_115] {strides = array<i32>} : memref<10240xi32, #tpu.memory_space<vmem>>, vector<16xi32>,
    %swap3A_117 = vector.shape_cast %swap3A_116 : vector<16xi32> to vector<16xi32>
    %swap3A_118 = vector.shape_cast %broadcast_in_dim3A_114 : vector<16xi32> to vector<16xi32>
    tpu.vector_store %arg7[%swap3A_115], %swap3A_118 {strides = array<i32>} : memref<10240xi32, #tpu.memory_space<vmem>>, vector<16xi32>,
    %broadcast_in_dim3A_119 = arith.constant 10000 : i32
    %broadcast_in_dim3A_120 = vector.broadcast %broadcast_in_dim3A_119 : i32 to vector<16xi32>
    %swap3A_121 = arith.constant 10144 : index
    %swap3A_122 = tpu.vector_load %arg8[%swap3A_121] {strides = array<i32>} : memref<10240xi32, #tpu.memory_space<vmem>>, vector<16xi32>,
    %swap3A_123 = vector.shape_cast %swap3A_122 : vector<16xi32> to vector<16xi32>
    %swap3A_124 = vector.shape_cast %broadcast_in_dim3A_120 : vector<16xi32> to vector<16xi32>
    tpu.vector_store %arg8[%swap3A_121], %swap3A_124 {strides = array<i32>} : memref<10240xi32, #tpu.memory_space<vmem>>, vector<16xi32>,
    %broadcast_in_dim3A_125 = arith.constant 0 : i32
    %broadcast_in_dim3A_126 = vector.broadcast %broadcast_in_dim3A_125 : i32 to vector<16xi32>
    %swap3A_127 = arith.constant 10160 : index
    %swap3A_128 = tpu.vector_load %arg7[%swap3A_127] {strides = array<i32>} : memref<10240xi32, #tpu.memory_space<vmem>>, vector<16xi32>,
    %swap3A_129 = vector.shape_cast %swap3A_128 : vector<16xi32> to vector<16xi32>
    %swap3A_130 = vector.shape_cast %broadcast_in_dim3A_126 : vector<16xi32> to vector<16xi32>
    tpu.vector_store %arg7[%swap3A_127], %swap3A_130 {strides = array<i32>} : memref<10240xi32, #tpu.memory_space<vmem>>, vector<16xi32>,
    %broadcast_in_dim3A_131 = arith.constant 10000 : i32
    %broadcast_in_dim3A_132 = vector.broadcast %broadcast_in_dim3A_131 : i32 to vector<16xi32>
    %swap3A_133 = arith.constant 10160 : index
    %swap3A_134 = tpu.vector_load %arg8[%swap3A_133] {strides = array<i32>} : memref<10240xi32, #tpu.memory_space<vmem>>, vector<16xi32>,
    %swap3A_135 = vector.shape_cast %swap3A_134 : vector<16xi32> to vector<16xi32>
    %swap3A_136 = vector.shape_cast %broadcast_in_dim3A_132 : vector<16xi32> to vector<16xi32>
    tpu.vector_store %arg8[%swap3A_133], %swap3A_136 {strides = array<i32>} : memref<10240xi32, #tpu.memory_space<vmem>>, vector<16xi32>,
    %broadcast_in_dim3A_137 = arith.constant 0 : i32
    %broadcast_in_dim3A_138 = vector.broadcast %broadcast_in_dim3A_137 : i32 to vector<16xi32>
    %swap3A_139 = arith.constant 10176 : index
    %swap3A_140 = tpu.vector_load %arg7[%swap3A_139] {strides = array<i32>} : memref<10240xi32, #tpu.memory_space<vmem>>, vector<16xi32>,
    %swap3A_141 = vector.shape_cast %swap3A_140 : vector<16xi32> to vector<16xi32>
    %swap3A_142 = vector.shape_cast %broadcast_in_dim3A_138 : vector<16xi32> to vector<16xi32>
    tpu.vector_store %arg7[%swap3A_139], %swap3A_142 {strides = array<i32>} : memref<10240xi32, #tpu.memory_space<vmem>>, vector<16xi32>,
    %broadcast_in_dim3A_143 = arith.constant 10000 : i32
    %broadcast_in_dim3A_144 = vector.broadcast %broadcast_in_dim3A_143 : i32 to vector<16xi32>
    %swap3A_145 = arith.constant 10176 : index
    %swap3A_146 = tpu.vector_load %arg8[%swap3A_145] {strides = array<i32>} : memref<10240xi32, #tpu.memory_space<vmem>>, vector<16xi32>,
    %swap3A_147 = vector.shape_cast %swap3A_146 : vector<16xi32> to vector<16xi32>
    %swap3A_148 = vector.shape_cast %broadcast_in_dim3A_144 : vector<16xi32> to vector<16xi32>
    tpu.vector_store %arg8[%swap3A_145], %swap3A_148 {strides = array<i32>} : memref<10240xi32, #tpu.memory_space<vmem>>, vector<16xi32>,
    %broadcast_in_dim3A_149 = arith.constant 0 : i32
    %broadcast_in_dim3A_150 = vector.broadcast %broadcast_in_dim3A_149 : i32 to vector<16xi32>
    %swap3A_151 = arith.constant 10192 : index
    %swap3A_152 = tpu.vector_load %arg7[%swap3A_151] {strides = array<i32>} : memref<10240xi32, #tpu.memory_space<vmem>>, vector<16xi32>,
    %swap3A_153 = vector.shape_cast %swap3A_152 : vector<16xi32> to vector<16xi32>
    %swap3A_154 = vector.shape_cast %broadcast_in_dim3A_150 : vector<16xi32> to vector<16xi32>
    tpu.vector_store %arg7[%swap3A_151], %swap3A_154 {strides = array<i32>} : memref<10240xi32, #tpu.memory_space<vmem>>, vector<16xi32>,
    %broadcast_in_dim3A_155 = arith.constant 10000 : i32
    %broadcast_in_dim3A_156 = vector.broadcast %broadcast_in_dim3A_155 : i32 to vector<16xi32>
    %swap3A_157 = arith.constant 10192 : index
    %swap3A_158 = tpu.vector_load %arg8[%swap3A_157] {strides = array<i32>} : memref<10240xi32, #tpu.memory_space<vmem>>, vector<16xi32>,
    %swap3A_159 = vector.shape_cast %swap3A_158 : vector<16xi32> to vector<16xi32>
    %swap3A_160 = vector.shape_cast %broadcast_in_dim3A_156 : vector<16xi32> to vector<16xi32>
    tpu.vector_store %arg8[%swap3A_157], %swap3A_160 {strides = array<i32>} : memref<10240xi32, #tpu.memory_space<vmem>>, vector<16xi32>,
    %broadcast_in_dim3A_161 = arith.constant 0 : i32
    %broadcast_in_dim3A_162 = vector.broadcast %broadcast_in_dim3A_161 : i32 to vector<16xi32>
    %swap3A_163 = arith.constant 10208 : index
    %swap3A_164 = tpu.vector_load %arg7[%swap3A_163] {strides = array<i32>} : memref<10240xi32, #tpu.memory_space<vmem>>, vector<16xi32>,
    %swap3A_165 = vector.shape_cast %swap3A_164 : vector<16xi32> to vector<16xi32>
    %swap3A_166 = vector.shape_cast %broadcast_in_dim3A_162 : vector<16xi32> to vector<16xi32>
    tpu.vector_store %arg7[%swap3A_163], %swap3A_166 {strides = array<i32>} : memref<10240xi32, #tpu.memory_space<vmem>>, vector<16xi32>,
    %broadcast_in_dim3A_167 = arith.constant 10000 : i32
    %broadcast_in_dim3A_168 = vector.broadcast %broadcast_in_dim3A_167 : i32 to vector<16xi32>
    %swap3A_169 = arith.constant 10208 : index
    %swap3A_170 = tpu.vector_load %arg8[%swap3A_169] {strides = array<i32>} : memref<10240xi32, #tpu.memory_space<vmem>>, vector<16xi32>,
    %swap3A_171 = vector.shape_cast %swap3A_170 : vector<16xi32> to vector<16xi32>
    %swap3A_172 = vector.shape_cast %broadcast_in_dim3A_168 : vector<16xi32> to vector<16xi32>
    tpu.vector_store %arg8[%swap3A_169], %swap3A_172 {strides = array<i32>} : memref<10240xi32, #tpu.memory_space<vmem>>, vector<16xi32>,
    %broadcast_in_dim3A_173 = arith.constant 0 : i32
    %broadcast_in_dim3A_174 = vector.broadcast %broadcast_in_dim3A_173 : i32 to vector<16xi32>
    %swap3A_175 = arith.constant 10224 : index
    %swap3A_176 = tpu.vector_load %arg7[%swap3A_175] {strides = array<i32>} : memref<10240xi32, #tpu.memory_space<vmem>>, vector<16xi32>,
    %swap3A_177 = vector.shape_cast %swap3A_176 : vector<16xi32> to vector<16xi32>
    %swap3A_178 = vector.shape_cast %broadcast_in_dim3A_174 : vector<16xi32> to vector<16xi32>
    tpu.vector_store %arg7[%swap3A_175], %swap3A_178 {strides = array<i32>} : memref<10240xi32, #tpu.memory_space<vmem>>, vector<16xi32>,
    %broadcast_in_dim3A_179 = arith.constant 10000 : i32
    %broadcast_in_dim3A_180 = vector.broadcast %broadcast_in_dim3A_179 : i32 to vector<16xi32>
    %swap3A_181 = arith.constant 10224 : index
    %swap3A_182 = tpu.vector_load %arg8[%swap3A_181] {strides = array<i32>} : memref<10240xi32, #tpu.memory_space<vmem>>, vector<16xi32>,
    %swap3A_183 = vector.shape_cast %swap3A_182 : vector<16xi32> to vector<16xi32>
    %swap3A_184 = vector.shape_cast %broadcast_in_dim3A_180 : vector<16xi32> to vector<16xi32>
    tpu.vector_store %arg8[%swap3A_181], %swap3A_184 {strides = array<i32>} : memref<10240xi32, #tpu.memory_space<vmem>>, vector<16xi32>,
    %barrier3A = arith.constant 0 : index
    tpu.barrier barrier_id(%barrier3A)
    %scan3A = arith.constant 0 : i32
    %scan3A_185 = arith.constant 0 : i32
    %scan3A_186 = arith.constant 40 : i32
    %scan3A_187 = arith.addi %scan3A_185, %scan3A_186 : i32
    %scan3A_188 = arith.constant 1 : i32
    scf.for %scan3A_195 = %scan3A_185 to %scan3A_187 step %scan3A_188  : i32 {
      %mul3A_196 = arith.constant 256 : i32
      %mul3A_197 = arith.muli %scan3A_195, %mul3A_196 : i32
      %dma_start3A = arith.constant 0 : i32
      %dma_start3A_198 = arith.constant 0 : i32
      %dma_start3A_199 = arith.constant 0 : i32
      %dma_start3A_200 = tpu.memref_slice %arg9[%dma_start3A, %dma_start3A_198, %dma_start3A_199] : memref<1x256x64xbf16, #tpu.memory_space<vmem>> -> memref<1x256x64xbf16, #tpu.memory_space<vmem>>
      %dma_start3A_201 = tpu.memref_squeeze %dma_start3A_200 : memref<1x256x64xbf16, #tpu.memory_space<vmem>> -> memref<256x64xbf16, #tpu.memory_space<vmem>>
      %dma_start3A_202 = tpu.memref_slice %arg7[%mul3A_197] : memref<10240xi32, #tpu.memory_space<vmem>> -> memref<256xi32, #tpu.memory_space<vmem>>
      %dma_start3A_203 = arith.constant 0 : i32
      %dma_start3A_204 = arith.constant 0 : i32
      %dma_start3A_205 = tpu.memref_slice %arg10[%dma_start3A_203, %dma_start3A_204] : memref<10000x64xbf16, #tpu.memory_space<vmem_shared>> -> memref<10000x64xbf16, #tpu.memory_space<vmem_shared>>
      tpu.enqueue_indirect_dma source(%dma_start3A_205 : memref<10000x64xbf16, #tpu.memory_space<vmem_shared>>) target(%dma_start3A_201 : memref<256x64xbf16, #tpu.memory_space<vmem>>) offsets(%dma_start3A_202 : memref<256xi32, #tpu.memory_space<vmem>>) semaphore(%arg12 : memref<!tpu.dma_semaphore, #tpu.memory_space<semaphore_mem>>)
      %dma_wait3A = arith.constant 0 : i32
      %dma_wait3A_206 = arith.constant 0 : i32
      %dma_wait3A_207 = arith.constant 0 : i32
      %dma_wait3A_208 = tpu.memref_slice %arg9[%dma_wait3A, %dma_wait3A_206, %dma_wait3A_207] : memref<1x256x64xbf16, #tpu.memory_space<vmem>> -> memref<1x256x64xbf16, #tpu.memory_space<vmem>>
      %dma_wait3A_209 = tpu.memref_squeeze %dma_wait3A_208 : memref<1x256x64xbf16, #tpu.memory_space<vmem>> -> memref<256x64xbf16, #tpu.memory_space<vmem>>
      %dma_wait3A_210 = tpu.memref_slice %arg7[%mul3A_197] : memref<10240xi32, #tpu.memory_space<vmem>> -> memref<256xi32, #tpu.memory_space<vmem>>
      %dma_wait3A_211 = arith.constant 0 : i32
      %dma_wait3A_212 = arith.constant 0 : i32
      %dma_wait3A_213 = tpu.memref_slice %arg10[%dma_wait3A_211, %dma_wait3A_212] : memref<10000x64xbf16, #tpu.memory_space<vmem_shared>> -> memref<10000x64xbf16, #tpu.memory_space<vmem_shared>>
      tpu.wait_indirect_dma semaphore(%arg12 : memref<!tpu.dma_semaphore, #tpu.memory_space<semaphore_mem>>) src(%dma_wait3A_213 : memref<10000x64xbf16, #tpu.memory_space<vmem_shared>>) dst(%dma_wait3A_209 : memref<256x64xbf16, #tpu.memory_space<vmem>>)
      %mul3A_214 = arith.constant 256 : i32
      %mul3A_215 = arith.muli %scan3A_195, %mul3A_214 : i32
      %run_scoped3A = arith.constant 0 : i32
      "tpu.region"() ({
        %run_scoped3A_216 = tpu.sem_alloc : memref<!tpu.dma_semaphore, #tpu.memory_space<semaphore_mem>>
        %dma_start3A_217 = arith.constant 0 : i32
        %dma_start3A_218 = arith.constant 0 : i32
        %dma_start3A_219 = tpu.memref_slice %arg9[%run_scoped3A, %dma_start3A_217, %dma_start3A_218] : memref<1x256x64xbf16, #tpu.memory_space<vmem>> -> memref<1x256x64xbf16, #tpu.memory_space<vmem>>
        %dma_start3A_220 = tpu.memref_squeeze %dma_start3A_219 : memref<1x256x64xbf16, #tpu.memory_space<vmem>> -> memref<256x64xbf16, #tpu.memory_space<vmem>>
        %dma_start3A_221 = tpu.memref_slice %arg8[%mul3A_215] : memref<10240xi32, #tpu.memory_space<vmem>> -> memref<256xi32, #tpu.memory_space<vmem>>
        %dma_start3A_222 = arith.constant 0 : i32
        %dma_start3A_223 = arith.constant 0 : i32
        %dma_start3A_224 = tpu.memref_slice %arg11[%dma_start3A_222, %dma_start3A_223] : memref<10112x64xbf16, #tpu.memory_space<vmem_shared>> -> memref<10112x64xbf16, #tpu.memory_space<vmem_shared>>
        tpu.enqueue_indirect_dma source(%dma_start3A_220 : memref<256x64xbf16, #tpu.memory_space<vmem>>) target(%dma_start3A_224 : memref<10112x64xbf16, #tpu.memory_space<vmem_shared>>) offsets(%dma_start3A_221 : memref<256xi32, #tpu.memory_space<vmem>>) semaphore(%run_scoped3A_216 : memref<!tpu.dma_semaphore, #tpu.memory_space<semaphore_mem>>) {add = true}
        %dma_wait3A_225 = arith.constant 0 : i32
        %dma_wait3A_226 = arith.constant 0 : i32
        %dma_wait3A_227 = tpu.memref_slice %arg9[%run_scoped3A, %dma_wait3A_225, %dma_wait3A_226] : memref<1x256x64xbf16, #tpu.memory_space<vmem>> -> memref<1x256x64xbf16, #tpu.memory_space<vmem>>
        %dma_wait3A_228 = tpu.memref_squeeze %dma_wait3A_227 : memref<1x256x64xbf16, #tpu.memory_space<vmem>> -> memref<256x64xbf16, #tpu.memory_space<vmem>>
        %dma_wait3A_229 = tpu.memref_slice %arg8[%mul3A_215] : memref<10240xi32, #tpu.memory_space<vmem>> -> memref<256xi32, #tpu.memory_space<vmem>>
        %dma_wait3A_230 = arith.constant 0 : i32
        %dma_wait3A_231 = arith.constant 0 : i32
        %dma_wait3A_232 = tpu.memref_slice %arg11[%dma_wait3A_230, %dma_wait3A_231] : memref<10112x64xbf16, #tpu.memory_space<vmem_shared>> -> memref<10112x64xbf16, #tpu.memory_space<vmem_shared>>
        tpu.wait_indirect_dma semaphore(%run_scoped3A_216 : memref<!tpu.dma_semaphore, #tpu.memory_space<semaphore_mem>>) src(%dma_wait3A_228 : memref<256x64xbf16, #tpu.memory_space<vmem>>) dst(%dma_wait3A_232 : memref<10112x64xbf16, #tpu.memory_space<vmem_shared>>)
        tpu.yield
      }) : () -> ()
    }
    %scan3A_189 = arith.constant 40 : i32
    %barrier3A_190 = arith.constant 0 : index
    tpu.barrier barrier_id(%barrier3A_190)
    %mul3A_191 = arith.constant 632 : i32
    %mul3A_192 = arith.muli %arg1, %mul3A_191 : i32
    %mul3A_193 = arith.constant 632 : i32
    %mul3A_194 = arith.muli %arg1, %mul3A_193 : i32
    "tpu.region"() ({
      %run_scoped3A = tpu.sem_alloc : memref<!tpu.dma_semaphore, #tpu.memory_space<semaphore_mem>>
      %dma_start3A = arith.constant 0 : i32
      %dma_start3A_195 = tpu.memref_slice %arg6[%arg0, %mul3A_194, %dma_start3A] : memref<2x10112x64xbf16, #tpu.memory_space<hbm>> -> memref<1x632x64xbf16, #tpu.memory_space<hbm>>
      %dma_start3A_196 = tpu.memref_squeeze %dma_start3A_195 : memref<1x632x64xbf16, #tpu.memory_space<hbm>> -> memref<632x64xbf16, #tpu.memory_space<hbm>>
      %dma_start3A_197 = arith.constant 0 : i32
      %dma_start3A_198 = tpu.memref_slice %arg11[%mul3A_192, %dma_start3A_197] : memref<10112x64xbf16, #tpu.memory_space<vmem_shared>> -> memref<632x64xbf16, #tpu.memory_space<vmem_shared>>
      tpu.enqueue_dma source(%dma_start3A_198 : memref<632x64xbf16, #tpu.memory_space<vmem_shared>>) target(%dma_start3A_196 : memref<632x64xbf16, #tpu.memory_space<hbm>>) target_semaphore(%run_scoped3A : memref<!tpu.dma_semaphore, #tpu.memory_space<semaphore_mem>>)
      %dma_wait3A = arith.constant 0 : i32
      %dma_wait3A_199 = tpu.memref_slice %arg6[%arg0, %mul3A_194, %dma_wait3A] : memref<2x10112x64xbf16, #tpu.memory_space<hbm>> -> memref<1x632x64xbf16, #tpu.memory_space<hbm>>
      %dma_wait3A_200 = tpu.memref_squeeze %dma_wait3A_199 : memref<1x632x64xbf16, #tpu.memory_space<hbm>> -> memref<632x64xbf16, #tpu.memory_space<hbm>>
      %dma_wait3A_201 = arith.constant 0 : i32
      %dma_wait3A_202 = tpu.memref_slice %arg11[%mul3A_192, %dma_wait3A_201] : memref<10112x64xbf16, #tpu.memory_space<vmem_shared>> -> memref<632x64xbf16, #tpu.memory_space<vmem_shared>>
      tpu.wait_dma2 semaphore(%run_scoped3A : memref<!tpu.dma_semaphore, #tpu.memory_space<semaphore_mem>>) src(%dma_wait3A_202 : memref<632x64xbf16, #tpu.memory_space<vmem_shared>>) dst(%dma_wait3A_200 : memref<632x64xbf16, #tpu.memory_space<hbm>>)
      tpu.yield
    }) : () -> ()
    return
  }
}

#map = affine_map<(d0, d1) -> (0, 0)>
#map1 = affine_map<(d0, d1) -> (0, 0, 0)>
module attributes {stable_mosaic.version = 14 : i64} {
  func.func @agg(%arg0: i32, %arg1: i32, %arg2: memref<10000x32xbf16, #tpu.memory_space<hbm>>, %arg3: memref<32x10000xi32, #tpu.memory_space<hbm>>, %arg4: memref<32x10000xi32, #tpu.memory_space<hbm>>, %arg5: memref<632x32xbf16, #tpu.memory_space<hbm>>, %arg6: memref<2x10112x32xbf16, #tpu.memory_space<hbm>>, %arg7: memref<10240xi32, #tpu.memory_space<vmem>>, %arg8: memref<10240xi32, #tpu.memory_space<vmem>>, %arg9: memref<1x256x32xbf16, #tpu.memory_space<vmem>>, %arg10: memref<10000x32xbf16, #tpu.memory_space<vmem_shared>>, %arg11: memref<10112x32xbf16, #tpu.memory_space<vmem_shared>>, %arg12: memref<!tpu.dma_semaphore, #tpu.memory_space<semaphore_mem>>) attributes {dimension_semantics = [#tpu.dimension_semantics<core_parallel>, #tpu.dimension_semantics<subcore_parallel>], iteration_bounds = array<i64: 2, 16>, scalar_prefetch = 0 : i64, scratch_operands = 6 : i64, tpu.core_type = #tpu.core_type<sc_vector_subcore>, window_params = [{transform_indices = #map}, {transform_indices = #map}, {transform_indices = #map}, {transform_indices = #map}, {transform_indices = #map1}]} {
    %mul3A = arith.constant 16 : i32
    %mul3A_0 = arith.muli %arg0, %mul3A : i32
    %add3A = arith.addi %mul3A_0, %arg1 : i32
    %mul3A_1 = arith.constant 625 : i32
    %mul3A_2 = arith.muli %arg1, %mul3A_1 : i32
    %mul3A_3 = arith.constant 625 : i32
    %mul3A_4 = arith.muli %arg1, %mul3A_3 : i32
    "tpu.region"() ({
      %run_scoped3A = tpu.sem_alloc : memref<!tpu.dma_semaphore, #tpu.memory_space<semaphore_mem>>
      %dma_start3A = arith.constant 0 : i32
      %dma_start3A_195 = tpu.memref_slice %arg10[%mul3A_4, %dma_start3A] : memref<10000x32xbf16, #tpu.memory_space<vmem_shared>> -> memref<625x32xbf16, #tpu.memory_space<vmem_shared>>
      %dma_start3A_196 = arith.constant 0 : i32
      %dma_start3A_197 = tpu.memref_slice %arg2[%mul3A_2, %dma_start3A_196] : memref<10000x32xbf16, #tpu.memory_space<hbm>> -> memref<625x32xbf16, #tpu.memory_space<hbm>>
      tpu.enqueue_dma source(%dma_start3A_197 : memref<625x32xbf16, #tpu.memory_space<hbm>>) target(%dma_start3A_195 : memref<625x32xbf16, #tpu.memory_space<vmem_shared>>) target_semaphore(%run_scoped3A : memref<!tpu.dma_semaphore, #tpu.memory_space<semaphore_mem>>)
      %dma_wait3A = arith.constant 0 : i32
      %dma_wait3A_198 = tpu.memref_slice %arg10[%mul3A_4, %dma_wait3A] : memref<10000x32xbf16, #tpu.memory_space<vmem_shared>> -> memref<625x32xbf16, #tpu.memory_space<vmem_shared>>
      %dma_wait3A_199 = arith.constant 0 : i32
      %dma_wait3A_200 = tpu.memref_slice %arg2[%mul3A_2, %dma_wait3A_199] : memref<10000x32xbf16, #tpu.memory_space<hbm>> -> memref<625x32xbf16, #tpu.memory_space<hbm>>
      tpu.wait_dma2 semaphore(%run_scoped3A : memref<!tpu.dma_semaphore, #tpu.memory_space<semaphore_mem>>) src(%dma_wait3A_200 : memref<625x32xbf16, #tpu.memory_space<hbm>>) dst(%dma_wait3A_198 : memref<625x32xbf16, #tpu.memory_space<vmem_shared>>)
      tpu.yield
    }) : () -> ()
    %mul3A_5 = arith.constant 632 : i32
    %mul3A_6 = arith.muli %arg1, %mul3A_5 : i32
    "tpu.region"() ({
      %run_scoped3A = tpu.sem_alloc : memref<!tpu.dma_semaphore, #tpu.memory_space<semaphore_mem>>
      %dma_start3A = arith.constant 0 : i32
      %dma_start3A_195 = tpu.memref_slice %arg11[%mul3A_6, %dma_start3A] : memref<10112x32xbf16, #tpu.memory_space<vmem_shared>> -> memref<632x32xbf16, #tpu.memory_space<vmem_shared>>
      tpu.enqueue_dma source(%arg5 : memref<632x32xbf16, #tpu.memory_space<hbm>>) target(%dma_start3A_195 : memref<632x32xbf16, #tpu.memory_space<vmem_shared>>) target_semaphore(%run_scoped3A : memref<!tpu.dma_semaphore, #tpu.memory_space<semaphore_mem>>)
      %dma_wait3A = arith.constant 0 : i32
      %dma_wait3A_196 = tpu.memref_slice %arg11[%mul3A_6, %dma_wait3A] : memref<10112x32xbf16, #tpu.memory_space<vmem_shared>> -> memref<632x32xbf16, #tpu.memory_space<vmem_shared>>
      tpu.wait_dma2 semaphore(%run_scoped3A : memref<!tpu.dma_semaphore, #tpu.memory_space<semaphore_mem>>) src(%arg5 : memref<632x32xbf16, #tpu.memory_space<hbm>>) dst(%dma_wait3A_196 : memref<632x32xbf16, #tpu.memory_space<vmem_shared>>)
      tpu.yield
    }) : () -> ()
    "tpu.region"() ({
      %run_scoped3A = tpu.sem_alloc : memref<!tpu.dma_semaphore, #tpu.memory_space<semaphore_mem>>
      %dma_start3A = arith.constant 0 : i32
      %dma_start3A_195 = tpu.memref_slice %arg7[%dma_start3A] : memref<10240xi32, #tpu.memory_space<vmem>> -> memref<10000xi32, #tpu.memory_space<vmem>>
      %dma_start3A_196 = arith.constant 0 : i32
      %dma_start3A_197 = tpu.memref_slice %arg3[%add3A, %dma_start3A_196] : memref<32x10000xi32, #tpu.memory_space<hbm>> -> memref<1x10000xi32, #tpu.memory_space<hbm>>
      %dma_start3A_198 = tpu.memref_squeeze %dma_start3A_197 : memref<1x10000xi32, #tpu.memory_space<hbm>> -> memref<10000xi32, #tpu.memory_space<hbm>>
      %dma_start3A_199 = arith.constant 0 : i32
      %dma_start3A_200 = tpu.memref_slice %arg7[%dma_start3A_199] : memref<10240xi32, #tpu.memory_space<vmem>> -> memref<10000xi32, #tpu.memory_space<vmem>>
      %dma_start3A_201 = arith.constant 0 : i32
      %dma_start3A_202 = tpu.memref_slice %arg3[%add3A, %dma_start3A_201] : memref<32x10000xi32, #tpu.memory_space<hbm>> -> memref<1x10000xi32, #tpu.memory_space<hbm>>
      %dma_start3A_203 = tpu.memref_squeeze %dma_start3A_202 : memref<1x10000xi32, #tpu.memory_space<hbm>> -> memref<10000xi32, #tpu.memory_space<hbm>>
      tpu.enqueue_dma source(%dma_start3A_203 : memref<10000xi32, #tpu.memory_space<hbm>>) target(%dma_start3A_200 : memref<10000xi32, #tpu.memory_space<vmem>>) target_semaphore(%run_scoped3A : memref<!tpu.dma_semaphore, #tpu.memory_space<semaphore_mem>>)
      %dma_wait3A = arith.constant 0 : i32
      %dma_wait3A_204 = tpu.memref_slice %arg7[%dma_wait3A] : memref<10240xi32, #tpu.memory_space<vmem>> -> memref<10000xi32, #tpu.memory_space<vmem>>
      %dma_wait3A_205 = arith.constant 0 : i32
      %dma_wait3A_206 = tpu.memref_slice %arg3[%add3A, %dma_wait3A_205] : memref<32x10000xi32, #tpu.memory_space<hbm>> -> memref<1x10000xi32, #tpu.memory_space<hbm>>
      %dma_wait3A_207 = tpu.memref_squeeze %dma_wait3A_206 : memref<1x10000xi32, #tpu.memory_space<hbm>> -> memref<10000xi32, #tpu.memory_space<hbm>>
      %dma_wait3A_208 = arith.constant 0 : i32
      %dma_wait3A_209 = tpu.memref_slice %arg7[%dma_wait3A_208] : memref<10240xi32, #tpu.memory_space<vmem>> -> memref<10000xi32, #tpu.memory_space<vmem>>
      %dma_wait3A_210 = arith.constant 0 : i32
      %dma_wait3A_211 = tpu.memref_slice %arg3[%add3A, %dma_wait3A_210] : memref<32x10000xi32, #tpu.memory_space<hbm>> -> memref<1x10000xi32, #tpu.memory_space<hbm>>
      %dma_wait3A_212 = tpu.memref_squeeze %dma_wait3A_211 : memref<1x10000xi32, #tpu.memory_space<hbm>> -> memref<10000xi32, #tpu.memory_space<hbm>>
      tpu.wait_dma2 semaphore(%run_scoped3A : memref<!tpu.dma_semaphore, #tpu.memory_space<semaphore_mem>>) src(%dma_wait3A_212 : memref<10000xi32, #tpu.memory_space<hbm>>) dst(%dma_wait3A_209 : memref<10000xi32, #tpu.memory_space<vmem>>)
      tpu.yield
    }) : () -> ()
    "tpu.region"() ({
      %run_scoped3A = tpu.sem_alloc : memref<!tpu.dma_semaphore, #tpu.memory_space<semaphore_mem>>
      %dma_start3A = arith.constant 0 : i32
      %dma_start3A_195 = tpu.memref_slice %arg8[%dma_start3A] : memref<10240xi32, #tpu.memory_space<vmem>> -> memref<10000xi32, #tpu.memory_space<vmem>>
      %dma_start3A_196 = arith.constant 0 : i32
      %dma_start3A_197 = tpu.memref_slice %arg4[%add3A, %dma_start3A_196] : memref<32x10000xi32, #tpu.memory_space<hbm>> -> memref<1x10000xi32, #tpu.memory_space<hbm>>
      %dma_start3A_198 = tpu.memref_squeeze %dma_start3A_197 : memref<1x10000xi32, #tpu.memory_space<hbm>> -> memref<10000xi32, #tpu.memory_space<hbm>>
      %dma_start3A_199 = arith.constant 0 : i32
      %dma_start3A_200 = tpu.memref_slice %arg8[%dma_start3A_199] : memref<10240xi32, #tpu.memory_space<vmem>> -> memref<10000xi32, #tpu.memory_space<vmem>>
      %dma_start3A_201 = arith.constant 0 : i32
      %dma_start3A_202 = tpu.memref_slice %arg4[%add3A, %dma_start3A_201] : memref<32x10000xi32, #tpu.memory_space<hbm>> -> memref<1x10000xi32, #tpu.memory_space<hbm>>
      %dma_start3A_203 = tpu.memref_squeeze %dma_start3A_202 : memref<1x10000xi32, #tpu.memory_space<hbm>> -> memref<10000xi32, #tpu.memory_space<hbm>>
      tpu.enqueue_dma source(%dma_start3A_203 : memref<10000xi32, #tpu.memory_space<hbm>>) target(%dma_start3A_200 : memref<10000xi32, #tpu.memory_space<vmem>>) target_semaphore(%run_scoped3A : memref<!tpu.dma_semaphore, #tpu.memory_space<semaphore_mem>>)
      %dma_wait3A = arith.constant 0 : i32
      %dma_wait3A_204 = tpu.memref_slice %arg8[%dma_wait3A] : memref<10240xi32, #tpu.memory_space<vmem>> -> memref<10000xi32, #tpu.memory_space<vmem>>
      %dma_wait3A_205 = arith.constant 0 : i32
      %dma_wait3A_206 = tpu.memref_slice %arg4[%add3A, %dma_wait3A_205] : memref<32x10000xi32, #tpu.memory_space<hbm>> -> memref<1x10000xi32, #tpu.memory_space<hbm>>
      %dma_wait3A_207 = tpu.memref_squeeze %dma_wait3A_206 : memref<1x10000xi32, #tpu.memory_space<hbm>> -> memref<10000xi32, #tpu.memory_space<hbm>>
      %dma_wait3A_208 = arith.constant 0 : i32
      %dma_wait3A_209 = tpu.memref_slice %arg8[%dma_wait3A_208] : memref<10240xi32, #tpu.memory_space<vmem>> -> memref<10000xi32, #tpu.memory_space<vmem>>
      %dma_wait3A_210 = arith.constant 0 : i32
      %dma_wait3A_211 = tpu.memref_slice %arg4[%add3A, %dma_wait3A_210] : memref<32x10000xi32, #tpu.memory_space<hbm>> -> memref<1x10000xi32, #tpu.memory_space<hbm>>
      %dma_wait3A_212 = tpu.memref_squeeze %dma_wait3A_211 : memref<1x10000xi32, #tpu.memory_space<hbm>> -> memref<10000xi32, #tpu.memory_space<hbm>>
      tpu.wait_dma2 semaphore(%run_scoped3A : memref<!tpu.dma_semaphore, #tpu.memory_space<semaphore_mem>>) src(%dma_wait3A_212 : memref<10000xi32, #tpu.memory_space<hbm>>) dst(%dma_wait3A_209 : memref<10000xi32, #tpu.memory_space<vmem>>)
      tpu.yield
    }) : () -> ()
    %broadcast_in_dim3A = arith.constant 0 : i32
    %broadcast_in_dim3A_7 = vector.broadcast %broadcast_in_dim3A : i32 to vector<16xi32>
    %swap3A = arith.constant 10000 : index
    %swap3A_8 = tpu.vector_load %arg7[%swap3A] {strides = array<i32>} : memref<10240xi32, #tpu.memory_space<vmem>>, vector<16xi32>,
    %swap3A_9 = vector.shape_cast %swap3A_8 : vector<16xi32> to vector<16xi32>
    %swap3A_10 = vector.shape_cast %broadcast_in_dim3A_7 : vector<16xi32> to vector<16xi32>
    tpu.vector_store %arg7[%swap3A], %swap3A_10 {strides = array<i32>} : memref<10240xi32, #tpu.memory_space<vmem>>, vector<16xi32>,
    %broadcast_in_dim3A_11 = arith.constant 10000 : i32
    %broadcast_in_dim3A_12 = vector.broadcast %broadcast_in_dim3A_11 : i32 to vector<16xi32>
    %swap3A_13 = arith.constant 10000 : index
    %swap3A_14 = tpu.vector_load %arg8[%swap3A_13] {strides = array<i32>} : memref<10240xi32, #tpu.memory_space<vmem>>, vector<16xi32>,
    %swap3A_15 = vector.shape_cast %swap3A_14 : vector<16xi32> to vector<16xi32>
    %swap3A_16 = vector.shape_cast %broadcast_in_dim3A_12 : vector<16xi32> to vector<16xi32>
    tpu.vector_store %arg8[%swap3A_13], %swap3A_16 {strides = array<i32>} : memref<10240xi32, #tpu.memory_space<vmem>>, vector<16xi32>,
    %broadcast_in_dim3A_17 = arith.constant 0 : i32
    %broadcast_in_dim3A_18 = vector.broadcast %broadcast_in_dim3A_17 : i32 to vector<16xi32>
    %swap3A_19 = arith.constant 10016 : index
    %swap3A_20 = tpu.vector_load %arg7[%swap3A_19] {strides = array<i32>} : memref<10240xi32, #tpu.memory_space<vmem>>, vector<16xi32>,
    %swap3A_21 = vector.shape_cast %swap3A_20 : vector<16xi32> to vector<16xi32>
    %swap3A_22 = vector.shape_cast %broadcast_in_dim3A_18 : vector<16xi32> to vector<16xi32>
    tpu.vector_store %arg7[%swap3A_19], %swap3A_22 {strides = array<i32>} : memref<10240xi32, #tpu.memory_space<vmem>>, vector<16xi32>,
    %broadcast_in_dim3A_23 = arith.constant 10000 : i32
    %broadcast_in_dim3A_24 = vector.broadcast %broadcast_in_dim3A_23 : i32 to vector<16xi32>
    %swap3A_25 = arith.constant 10016 : index
    %swap3A_26 = tpu.vector_load %arg8[%swap3A_25] {strides = array<i32>} : memref<10240xi32, #tpu.memory_space<vmem>>, vector<16xi32>,
    %swap3A_27 = vector.shape_cast %swap3A_26 : vector<16xi32> to vector<16xi32>
    %swap3A_28 = vector.shape_cast %broadcast_in_dim3A_24 : vector<16xi32> to vector<16xi32>
    tpu.vector_store %arg8[%swap3A_25], %swap3A_28 {strides = array<i32>} : memref<10240xi32, #tpu.memory_space<vmem>>, vector<16xi32>,
    %broadcast_in_dim3A_29 = arith.constant 0 : i32
    %broadcast_in_dim3A_30 = vector.broadcast %broadcast_in_dim3A_29 : i32 to vector<16xi32>
    %swap3A_31 = arith.constant 10032 : index
    %swap3A_32 = tpu.vector_load %arg7[%swap3A_31] {strides = array<i32>} : memref<10240xi32, #tpu.memory_space<vmem>>, vector<16xi32>,
    %swap3A_33 = vector.shape_cast %swap3A_32 : vector<16xi32> to vector<16xi32>
    %swap3A_34 = vector.shape_cast %broadcast_in_dim3A_30 : vector<16xi32> to vector<16xi32>
    tpu.vector_store %arg7[%swap3A_31], %swap3A_34 {strides = array<i32>} : memref<10240xi32, #tpu.memory_space<vmem>>, vector<16xi32>,
    %broadcast_in_dim3A_35 = arith.constant 10000 : i32
    %broadcast_in_dim3A_36 = vector.broadcast %broadcast_in_dim3A_35 : i32 to vector<16xi32>
    %swap3A_37 = arith.constant 10032 : index
    %swap3A_38 = tpu.vector_load %arg8[%swap3A_37] {strides = array<i32>} : memref<10240xi32, #tpu.memory_space<vmem>>, vector<16xi32>,
    %swap3A_39 = vector.shape_cast %swap3A_38 : vector<16xi32> to vector<16xi32>
    %swap3A_40 = vector.shape_cast %broadcast_in_dim3A_36 : vector<16xi32> to vector<16xi32>
    tpu.vector_store %arg8[%swap3A_37], %swap3A_40 {strides = array<i32>} : memref<10240xi32, #tpu.memory_space<vmem>>, vector<16xi32>,
    %broadcast_in_dim3A_41 = arith.constant 0 : i32
    %broadcast_in_dim3A_42 = vector.broadcast %broadcast_in_dim3A_41 : i32 to vector<16xi32>
    %swap3A_43 = arith.constant 10048 : index
    %swap3A_44 = tpu.vector_load %arg7[%swap3A_43] {strides = array<i32>} : memref<10240xi32, #tpu.memory_space<vmem>>, vector<16xi32>,
    %swap3A_45 = vector.shape_cast %swap3A_44 : vector<16xi32> to vector<16xi32>
    %swap3A_46 = vector.shape_cast %broadcast_in_dim3A_42 : vector<16xi32> to vector<16xi32>
    tpu.vector_store %arg7[%swap3A_43], %swap3A_46 {strides = array<i32>} : memref<10240xi32, #tpu.memory_space<vmem>>, vector<16xi32>,
    %broadcast_in_dim3A_47 = arith.constant 10000 : i32
    %broadcast_in_dim3A_48 = vector.broadcast %broadcast_in_dim3A_47 : i32 to vector<16xi32>
    %swap3A_49 = arith.constant 10048 : index
    %swap3A_50 = tpu.vector_load %arg8[%swap3A_49] {strides = array<i32>} : memref<10240xi32, #tpu.memory_space<vmem>>, vector<16xi32>,
    %swap3A_51 = vector.shape_cast %swap3A_50 : vector<16xi32> to vector<16xi32>
    %swap3A_52 = vector.shape_cast %broadcast_in_dim3A_48 : vector<16xi32> to vector<16xi32>
    tpu.vector_store %arg8[%swap3A_49], %swap3A_52 {strides = array<i32>} : memref<10240xi32, #tpu.memory_space<vmem>>, vector<16xi32>,
    %broadcast_in_dim3A_53 = arith.constant 0 : i32
    %broadcast_in_dim3A_54 = vector.broadcast %broadcast_in_dim3A_53 : i32 to vector<16xi32>
    %swap3A_55 = arith.constant 10064 : index
    %swap3A_56 = tpu.vector_load %arg7[%swap3A_55] {strides = array<i32>} : memref<10240xi32, #tpu.memory_space<vmem>>, vector<16xi32>,
    %swap3A_57 = vector.shape_cast %swap3A_56 : vector<16xi32> to vector<16xi32>
    %swap3A_58 = vector.shape_cast %broadcast_in_dim3A_54 : vector<16xi32> to vector<16xi32>
    tpu.vector_store %arg7[%swap3A_55], %swap3A_58 {strides = array<i32>} : memref<10240xi32, #tpu.memory_space<vmem>>, vector<16xi32>,
    %broadcast_in_dim3A_59 = arith.constant 10000 : i32
    %broadcast_in_dim3A_60 = vector.broadcast %broadcast_in_dim3A_59 : i32 to vector<16xi32>
    %swap3A_61 = arith.constant 10064 : index
    %swap3A_62 = tpu.vector_load %arg8[%swap3A_61] {strides = array<i32>} : memref<10240xi32, #tpu.memory_space<vmem>>, vector<16xi32>,
    %swap3A_63 = vector.shape_cast %swap3A_62 : vector<16xi32> to vector<16xi32>
    %swap3A_64 = vector.shape_cast %broadcast_in_dim3A_60 : vector<16xi32> to vector<16xi32>
    tpu.vector_store %arg8[%swap3A_61], %swap3A_64 {strides = array<i32>} : memref<10240xi32, #tpu.memory_space<vmem>>, vector<16xi32>,
    %broadcast_in_dim3A_65 = arith.constant 0 : i32
    %broadcast_in_dim3A_66 = vector.broadcast %broadcast_in_dim3A_65 : i32 to vector<16xi32>
    %swap3A_67 = arith.constant 10080 : index
    %swap3A_68 = tpu.vector_load %arg7[%swap3A_67] {strides = array<i32>} : memref<10240xi32, #tpu.memory_space<vmem>>, vector<16xi32>,
    %swap3A_69 = vector.shape_cast %swap3A_68 : vector<16xi32> to vector<16xi32>
    %swap3A_70 = vector.shape_cast %broadcast_in_dim3A_66 : vector<16xi32> to vector<16xi32>
    tpu.vector_store %arg7[%swap3A_67], %swap3A_70 {strides = array<i32>} : memref<10240xi32, #tpu.memory_space<vmem>>, vector<16xi32>,
    %broadcast_in_dim3A_71 = arith.constant 10000 : i32
    %broadcast_in_dim3A_72 = vector.broadcast %broadcast_in_dim3A_71 : i32 to vector<16xi32>
    %swap3A_73 = arith.constant 10080 : index
    %swap3A_74 = tpu.vector_load %arg8[%swap3A_73] {strides = array<i32>} : memref<10240xi32, #tpu.memory_space<vmem>>, vector<16xi32>,
    %swap3A_75 = vector.shape_cast %swap3A_74 : vector<16xi32> to vector<16xi32>
    %swap3A_76 = vector.shape_cast %broadcast_in_dim3A_72 : vector<16xi32> to vector<16xi32>
    tpu.vector_store %arg8[%swap3A_73], %swap3A_76 {strides = array<i32>} : memref<10240xi32, #tpu.memory_space<vmem>>, vector<16xi32>,
    %broadcast_in_dim3A_77 = arith.constant 0 : i32
    %broadcast_in_dim3A_78 = vector.broadcast %broadcast_in_dim3A_77 : i32 to vector<16xi32>
    %swap3A_79 = arith.constant 10096 : index
    %swap3A_80 = tpu.vector_load %arg7[%swap3A_79] {strides = array<i32>} : memref<10240xi32, #tpu.memory_space<vmem>>, vector<16xi32>,
    %swap3A_81 = vector.shape_cast %swap3A_80 : vector<16xi32> to vector<16xi32>
    %swap3A_82 = vector.shape_cast %broadcast_in_dim3A_78 : vector<16xi32> to vector<16xi32>
    tpu.vector_store %arg7[%swap3A_79], %swap3A_82 {strides = array<i32>} : memref<10240xi32, #tpu.memory_space<vmem>>, vector<16xi32>,
    %broadcast_in_dim3A_83 = arith.constant 10000 : i32
    %broadcast_in_dim3A_84 = vector.broadcast %broadcast_in_dim3A_83 : i32 to vector<16xi32>
    %swap3A_85 = arith.constant 10096 : index
    %swap3A_86 = tpu.vector_load %arg8[%swap3A_85] {strides = array<i32>} : memref<10240xi32, #tpu.memory_space<vmem>>, vector<16xi32>,
    %swap3A_87 = vector.shape_cast %swap3A_86 : vector<16xi32> to vector<16xi32>
    %swap3A_88 = vector.shape_cast %broadcast_in_dim3A_84 : vector<16xi32> to vector<16xi32>
    tpu.vector_store %arg8[%swap3A_85], %swap3A_88 {strides = array<i32>} : memref<10240xi32, #tpu.memory_space<vmem>>, vector<16xi32>,
    %broadcast_in_dim3A_89 = arith.constant 0 : i32
    %broadcast_in_dim3A_90 = vector.broadcast %broadcast_in_dim3A_89 : i32 to vector<16xi32>
    %swap3A_91 = arith.constant 10112 : index
    %swap3A_92 = tpu.vector_load %arg7[%swap3A_91] {strides = array<i32>} : memref<10240xi32, #tpu.memory_space<vmem>>, vector<16xi32>,
    %swap3A_93 = vector.shape_cast %swap3A_92 : vector<16xi32> to vector<16xi32>
    %swap3A_94 = vector.shape_cast %broadcast_in_dim3A_90 : vector<16xi32> to vector<16xi32>
    tpu.vector_store %arg7[%swap3A_91], %swap3A_94 {strides = array<i32>} : memref<10240xi32, #tpu.memory_space<vmem>>, vector<16xi32>,
    %broadcast_in_dim3A_95 = arith.constant 10000 : i32
    %broadcast_in_dim3A_96 = vector.broadcast %broadcast_in_dim3A_95 : i32 to vector<16xi32>
    %swap3A_97 = arith.constant 10112 : index
    %swap3A_98 = tpu.vector_load %arg8[%swap3A_97] {strides = array<i32>} : memref<10240xi32, #tpu.memory_space<vmem>>, vector<16xi32>,
    %swap3A_99 = vector.shape_cast %swap3A_98 : vector<16xi32> to vector<16xi32>
    %swap3A_100 = vector.shape_cast %broadcast_in_dim3A_96 : vector<16xi32> to vector<16xi32>
    tpu.vector_store %arg8[%swap3A_97], %swap3A_100 {strides = array<i32>} : memref<10240xi32, #tpu.memory_space<vmem>>, vector<16xi32>,
    %broadcast_in_dim3A_101 = arith.constant 0 : i32
    %broadcast_in_dim3A_102 = vector.broadcast %broadcast_in_dim3A_101 : i32 to vector<16xi32>
    %swap3A_103 = arith.constant 10128 : index
    %swap3A_104 = tpu.vector_load %arg7[%swap3A_103] {strides = array<i32>} : memref<10240xi32, #tpu.memory_space<vmem>>, vector<16xi32>,
    %swap3A_105 = vector.shape_cast %swap3A_104 : vector<16xi32> to vector<16xi32>
    %swap3A_106 = vector.shape_cast %broadcast_in_dim3A_102 : vector<16xi32> to vector<16xi32>
    tpu.vector_store %arg7[%swap3A_103], %swap3A_106 {strides = array<i32>} : memref<10240xi32, #tpu.memory_space<vmem>>, vector<16xi32>,
    %broadcast_in_dim3A_107 = arith.constant 10000 : i32
    %broadcast_in_dim3A_108 = vector.broadcast %broadcast_in_dim3A_107 : i32 to vector<16xi32>
    %swap3A_109 = arith.constant 10128 : index
    %swap3A_110 = tpu.vector_load %arg8[%swap3A_109] {strides = array<i32>} : memref<10240xi32, #tpu.memory_space<vmem>>, vector<16xi32>,
    %swap3A_111 = vector.shape_cast %swap3A_110 : vector<16xi32> to vector<16xi32>
    %swap3A_112 = vector.shape_cast %broadcast_in_dim3A_108 : vector<16xi32> to vector<16xi32>
    tpu.vector_store %arg8[%swap3A_109], %swap3A_112 {strides = array<i32>} : memref<10240xi32, #tpu.memory_space<vmem>>, vector<16xi32>,
    %broadcast_in_dim3A_113 = arith.constant 0 : i32
    %broadcast_in_dim3A_114 = vector.broadcast %broadcast_in_dim3A_113 : i32 to vector<16xi32>
    %swap3A_115 = arith.constant 10144 : index
    %swap3A_116 = tpu.vector_load %arg7[%swap3A_115] {strides = array<i32>} : memref<10240xi32, #tpu.memory_space<vmem>>, vector<16xi32>,
    %swap3A_117 = vector.shape_cast %swap3A_116 : vector<16xi32> to vector<16xi32>
    %swap3A_118 = vector.shape_cast %broadcast_in_dim3A_114 : vector<16xi32> to vector<16xi32>
    tpu.vector_store %arg7[%swap3A_115], %swap3A_118 {strides = array<i32>} : memref<10240xi32, #tpu.memory_space<vmem>>, vector<16xi32>,
    %broadcast_in_dim3A_119 = arith.constant 10000 : i32
    %broadcast_in_dim3A_120 = vector.broadcast %broadcast_in_dim3A_119 : i32 to vector<16xi32>
    %swap3A_121 = arith.constant 10144 : index
    %swap3A_122 = tpu.vector_load %arg8[%swap3A_121] {strides = array<i32>} : memref<10240xi32, #tpu.memory_space<vmem>>, vector<16xi32>,
    %swap3A_123 = vector.shape_cast %swap3A_122 : vector<16xi32> to vector<16xi32>
    %swap3A_124 = vector.shape_cast %broadcast_in_dim3A_120 : vector<16xi32> to vector<16xi32>
    tpu.vector_store %arg8[%swap3A_121], %swap3A_124 {strides = array<i32>} : memref<10240xi32, #tpu.memory_space<vmem>>, vector<16xi32>,
    %broadcast_in_dim3A_125 = arith.constant 0 : i32
    %broadcast_in_dim3A_126 = vector.broadcast %broadcast_in_dim3A_125 : i32 to vector<16xi32>
    %swap3A_127 = arith.constant 10160 : index
    %swap3A_128 = tpu.vector_load %arg7[%swap3A_127] {strides = array<i32>} : memref<10240xi32, #tpu.memory_space<vmem>>, vector<16xi32>,
    %swap3A_129 = vector.shape_cast %swap3A_128 : vector<16xi32> to vector<16xi32>
    %swap3A_130 = vector.shape_cast %broadcast_in_dim3A_126 : vector<16xi32> to vector<16xi32>
    tpu.vector_store %arg7[%swap3A_127], %swap3A_130 {strides = array<i32>} : memref<10240xi32, #tpu.memory_space<vmem>>, vector<16xi32>,
    %broadcast_in_dim3A_131 = arith.constant 10000 : i32
    %broadcast_in_dim3A_132 = vector.broadcast %broadcast_in_dim3A_131 : i32 to vector<16xi32>
    %swap3A_133 = arith.constant 10160 : index
    %swap3A_134 = tpu.vector_load %arg8[%swap3A_133] {strides = array<i32>} : memref<10240xi32, #tpu.memory_space<vmem>>, vector<16xi32>,
    %swap3A_135 = vector.shape_cast %swap3A_134 : vector<16xi32> to vector<16xi32>
    %swap3A_136 = vector.shape_cast %broadcast_in_dim3A_132 : vector<16xi32> to vector<16xi32>
    tpu.vector_store %arg8[%swap3A_133], %swap3A_136 {strides = array<i32>} : memref<10240xi32, #tpu.memory_space<vmem>>, vector<16xi32>,
    %broadcast_in_dim3A_137 = arith.constant 0 : i32
    %broadcast_in_dim3A_138 = vector.broadcast %broadcast_in_dim3A_137 : i32 to vector<16xi32>
    %swap3A_139 = arith.constant 10176 : index
    %swap3A_140 = tpu.vector_load %arg7[%swap3A_139] {strides = array<i32>} : memref<10240xi32, #tpu.memory_space<vmem>>, vector<16xi32>,
    %swap3A_141 = vector.shape_cast %swap3A_140 : vector<16xi32> to vector<16xi32>
    %swap3A_142 = vector.shape_cast %broadcast_in_dim3A_138 : vector<16xi32> to vector<16xi32>
    tpu.vector_store %arg7[%swap3A_139], %swap3A_142 {strides = array<i32>} : memref<10240xi32, #tpu.memory_space<vmem>>, vector<16xi32>,
    %broadcast_in_dim3A_143 = arith.constant 10000 : i32
    %broadcast_in_dim3A_144 = vector.broadcast %broadcast_in_dim3A_143 : i32 to vector<16xi32>
    %swap3A_145 = arith.constant 10176 : index
    %swap3A_146 = tpu.vector_load %arg8[%swap3A_145] {strides = array<i32>} : memref<10240xi32, #tpu.memory_space<vmem>>, vector<16xi32>,
    %swap3A_147 = vector.shape_cast %swap3A_146 : vector<16xi32> to vector<16xi32>
    %swap3A_148 = vector.shape_cast %broadcast_in_dim3A_144 : vector<16xi32> to vector<16xi32>
    tpu.vector_store %arg8[%swap3A_145], %swap3A_148 {strides = array<i32>} : memref<10240xi32, #tpu.memory_space<vmem>>, vector<16xi32>,
    %broadcast_in_dim3A_149 = arith.constant 0 : i32
    %broadcast_in_dim3A_150 = vector.broadcast %broadcast_in_dim3A_149 : i32 to vector<16xi32>
    %swap3A_151 = arith.constant 10192 : index
    %swap3A_152 = tpu.vector_load %arg7[%swap3A_151] {strides = array<i32>} : memref<10240xi32, #tpu.memory_space<vmem>>, vector<16xi32>,
    %swap3A_153 = vector.shape_cast %swap3A_152 : vector<16xi32> to vector<16xi32>
    %swap3A_154 = vector.shape_cast %broadcast_in_dim3A_150 : vector<16xi32> to vector<16xi32>
    tpu.vector_store %arg7[%swap3A_151], %swap3A_154 {strides = array<i32>} : memref<10240xi32, #tpu.memory_space<vmem>>, vector<16xi32>,
    %broadcast_in_dim3A_155 = arith.constant 10000 : i32
    %broadcast_in_dim3A_156 = vector.broadcast %broadcast_in_dim3A_155 : i32 to vector<16xi32>
    %swap3A_157 = arith.constant 10192 : index
    %swap3A_158 = tpu.vector_load %arg8[%swap3A_157] {strides = array<i32>} : memref<10240xi32, #tpu.memory_space<vmem>>, vector<16xi32>,
    %swap3A_159 = vector.shape_cast %swap3A_158 : vector<16xi32> to vector<16xi32>
    %swap3A_160 = vector.shape_cast %broadcast_in_dim3A_156 : vector<16xi32> to vector<16xi32>
    tpu.vector_store %arg8[%swap3A_157], %swap3A_160 {strides = array<i32>} : memref<10240xi32, #tpu.memory_space<vmem>>, vector<16xi32>,
    %broadcast_in_dim3A_161 = arith.constant 0 : i32
    %broadcast_in_dim3A_162 = vector.broadcast %broadcast_in_dim3A_161 : i32 to vector<16xi32>
    %swap3A_163 = arith.constant 10208 : index
    %swap3A_164 = tpu.vector_load %arg7[%swap3A_163] {strides = array<i32>} : memref<10240xi32, #tpu.memory_space<vmem>>, vector<16xi32>,
    %swap3A_165 = vector.shape_cast %swap3A_164 : vector<16xi32> to vector<16xi32>
    %swap3A_166 = vector.shape_cast %broadcast_in_dim3A_162 : vector<16xi32> to vector<16xi32>
    tpu.vector_store %arg7[%swap3A_163], %swap3A_166 {strides = array<i32>} : memref<10240xi32, #tpu.memory_space<vmem>>, vector<16xi32>,
    %broadcast_in_dim3A_167 = arith.constant 10000 : i32
    %broadcast_in_dim3A_168 = vector.broadcast %broadcast_in_dim3A_167 : i32 to vector<16xi32>
    %swap3A_169 = arith.constant 10208 : index
    %swap3A_170 = tpu.vector_load %arg8[%swap3A_169] {strides = array<i32>} : memref<10240xi32, #tpu.memory_space<vmem>>, vector<16xi32>,
    %swap3A_171 = vector.shape_cast %swap3A_170 : vector<16xi32> to vector<16xi32>
    %swap3A_172 = vector.shape_cast %broadcast_in_dim3A_168 : vector<16xi32> to vector<16xi32>
    tpu.vector_store %arg8[%swap3A_169], %swap3A_172 {strides = array<i32>} : memref<10240xi32, #tpu.memory_space<vmem>>, vector<16xi32>,
    %broadcast_in_dim3A_173 = arith.constant 0 : i32
    %broadcast_in_dim3A_174 = vector.broadcast %broadcast_in_dim3A_173 : i32 to vector<16xi32>
    %swap3A_175 = arith.constant 10224 : index
    %swap3A_176 = tpu.vector_load %arg7[%swap3A_175] {strides = array<i32>} : memref<10240xi32, #tpu.memory_space<vmem>>, vector<16xi32>,
    %swap3A_177 = vector.shape_cast %swap3A_176 : vector<16xi32> to vector<16xi32>
    %swap3A_178 = vector.shape_cast %broadcast_in_dim3A_174 : vector<16xi32> to vector<16xi32>
    tpu.vector_store %arg7[%swap3A_175], %swap3A_178 {strides = array<i32>} : memref<10240xi32, #tpu.memory_space<vmem>>, vector<16xi32>,
    %broadcast_in_dim3A_179 = arith.constant 10000 : i32
    %broadcast_in_dim3A_180 = vector.broadcast %broadcast_in_dim3A_179 : i32 to vector<16xi32>
    %swap3A_181 = arith.constant 10224 : index
    %swap3A_182 = tpu.vector_load %arg8[%swap3A_181] {strides = array<i32>} : memref<10240xi32, #tpu.memory_space<vmem>>, vector<16xi32>,
    %swap3A_183 = vector.shape_cast %swap3A_182 : vector<16xi32> to vector<16xi32>
    %swap3A_184 = vector.shape_cast %broadcast_in_dim3A_180 : vector<16xi32> to vector<16xi32>
    tpu.vector_store %arg8[%swap3A_181], %swap3A_184 {strides = array<i32>} : memref<10240xi32, #tpu.memory_space<vmem>>, vector<16xi32>,
    %barrier3A = arith.constant 0 : index
    tpu.barrier barrier_id(%barrier3A)
    %scan3A = arith.constant 0 : i32
    %scan3A_185 = arith.constant 0 : i32
    %scan3A_186 = arith.constant 40 : i32
    %scan3A_187 = arith.addi %scan3A_185, %scan3A_186 : i32
    %scan3A_188 = arith.constant 1 : i32
    scf.for %scan3A_195 = %scan3A_185 to %scan3A_187 step %scan3A_188  : i32 {
      %mul3A_196 = arith.constant 256 : i32
      %mul3A_197 = arith.muli %scan3A_195, %mul3A_196 : i32
      %dma_start3A = arith.constant 0 : i32
      %dma_start3A_198 = arith.constant 0 : i32
      %dma_start3A_199 = arith.constant 0 : i32
      %dma_start3A_200 = tpu.memref_slice %arg9[%dma_start3A, %dma_start3A_198, %dma_start3A_199] : memref<1x256x32xbf16, #tpu.memory_space<vmem>> -> memref<1x256x32xbf16, #tpu.memory_space<vmem>>
      %dma_start3A_201 = tpu.memref_squeeze %dma_start3A_200 : memref<1x256x32xbf16, #tpu.memory_space<vmem>> -> memref<256x32xbf16, #tpu.memory_space<vmem>>
      %dma_start3A_202 = tpu.memref_slice %arg7[%mul3A_197] : memref<10240xi32, #tpu.memory_space<vmem>> -> memref<256xi32, #tpu.memory_space<vmem>>
      %dma_start3A_203 = arith.constant 0 : i32
      %dma_start3A_204 = arith.constant 0 : i32
      %dma_start3A_205 = tpu.memref_slice %arg10[%dma_start3A_203, %dma_start3A_204] : memref<10000x32xbf16, #tpu.memory_space<vmem_shared>> -> memref<10000x32xbf16, #tpu.memory_space<vmem_shared>>
      tpu.enqueue_indirect_dma source(%dma_start3A_205 : memref<10000x32xbf16, #tpu.memory_space<vmem_shared>>) target(%dma_start3A_201 : memref<256x32xbf16, #tpu.memory_space<vmem>>) offsets(%dma_start3A_202 : memref<256xi32, #tpu.memory_space<vmem>>) semaphore(%arg12 : memref<!tpu.dma_semaphore, #tpu.memory_space<semaphore_mem>>)
      %dma_wait3A = arith.constant 0 : i32
      %dma_wait3A_206 = arith.constant 0 : i32
      %dma_wait3A_207 = arith.constant 0 : i32
      %dma_wait3A_208 = tpu.memref_slice %arg9[%dma_wait3A, %dma_wait3A_206, %dma_wait3A_207] : memref<1x256x32xbf16, #tpu.memory_space<vmem>> -> memref<1x256x32xbf16, #tpu.memory_space<vmem>>
      %dma_wait3A_209 = tpu.memref_squeeze %dma_wait3A_208 : memref<1x256x32xbf16, #tpu.memory_space<vmem>> -> memref<256x32xbf16, #tpu.memory_space<vmem>>
      %dma_wait3A_210 = tpu.memref_slice %arg7[%mul3A_197] : memref<10240xi32, #tpu.memory_space<vmem>> -> memref<256xi32, #tpu.memory_space<vmem>>
      %dma_wait3A_211 = arith.constant 0 : i32
      %dma_wait3A_212 = arith.constant 0 : i32
      %dma_wait3A_213 = tpu.memref_slice %arg10[%dma_wait3A_211, %dma_wait3A_212] : memref<10000x32xbf16, #tpu.memory_space<vmem_shared>> -> memref<10000x32xbf16, #tpu.memory_space<vmem_shared>>
      tpu.wait_indirect_dma semaphore(%arg12 : memref<!tpu.dma_semaphore, #tpu.memory_space<semaphore_mem>>) src(%dma_wait3A_213 : memref<10000x32xbf16, #tpu.memory_space<vmem_shared>>) dst(%dma_wait3A_209 : memref<256x32xbf16, #tpu.memory_space<vmem>>)
      %mul3A_214 = arith.constant 256 : i32
      %mul3A_215 = arith.muli %scan3A_195, %mul3A_214 : i32
      %run_scoped3A = arith.constant 0 : i32
      "tpu.region"() ({
        %run_scoped3A_216 = tpu.sem_alloc : memref<!tpu.dma_semaphore, #tpu.memory_space<semaphore_mem>>
        %dma_start3A_217 = arith.constant 0 : i32
        %dma_start3A_218 = arith.constant 0 : i32
        %dma_start3A_219 = tpu.memref_slice %arg9[%run_scoped3A, %dma_start3A_217, %dma_start3A_218] : memref<1x256x32xbf16, #tpu.memory_space<vmem>> -> memref<1x256x32xbf16, #tpu.memory_space<vmem>>
        %dma_start3A_220 = tpu.memref_squeeze %dma_start3A_219 : memref<1x256x32xbf16, #tpu.memory_space<vmem>> -> memref<256x32xbf16, #tpu.memory_space<vmem>>
        %dma_start3A_221 = tpu.memref_slice %arg8[%mul3A_215] : memref<10240xi32, #tpu.memory_space<vmem>> -> memref<256xi32, #tpu.memory_space<vmem>>
        %dma_start3A_222 = arith.constant 0 : i32
        %dma_start3A_223 = arith.constant 0 : i32
        %dma_start3A_224 = tpu.memref_slice %arg11[%dma_start3A_222, %dma_start3A_223] : memref<10112x32xbf16, #tpu.memory_space<vmem_shared>> -> memref<10112x32xbf16, #tpu.memory_space<vmem_shared>>
        tpu.enqueue_indirect_dma source(%dma_start3A_220 : memref<256x32xbf16, #tpu.memory_space<vmem>>) target(%dma_start3A_224 : memref<10112x32xbf16, #tpu.memory_space<vmem_shared>>) offsets(%dma_start3A_221 : memref<256xi32, #tpu.memory_space<vmem>>) semaphore(%run_scoped3A_216 : memref<!tpu.dma_semaphore, #tpu.memory_space<semaphore_mem>>) {add = true}
        %dma_wait3A_225 = arith.constant 0 : i32
        %dma_wait3A_226 = arith.constant 0 : i32
        %dma_wait3A_227 = tpu.memref_slice %arg9[%run_scoped3A, %dma_wait3A_225, %dma_wait3A_226] : memref<1x256x32xbf16, #tpu.memory_space<vmem>> -> memref<1x256x32xbf16, #tpu.memory_space<vmem>>
        %dma_wait3A_228 = tpu.memref_squeeze %dma_wait3A_227 : memref<1x256x32xbf16, #tpu.memory_space<vmem>> -> memref<256x32xbf16, #tpu.memory_space<vmem>>
        %dma_wait3A_229 = tpu.memref_slice %arg8[%mul3A_215] : memref<10240xi32, #tpu.memory_space<vmem>> -> memref<256xi32, #tpu.memory_space<vmem>>
        %dma_wait3A_230 = arith.constant 0 : i32
        %dma_wait3A_231 = arith.constant 0 : i32
        %dma_wait3A_232 = tpu.memref_slice %arg11[%dma_wait3A_230, %dma_wait3A_231] : memref<10112x32xbf16, #tpu.memory_space<vmem_shared>> -> memref<10112x32xbf16, #tpu.memory_space<vmem_shared>>
        tpu.wait_indirect_dma semaphore(%run_scoped3A_216 : memref<!tpu.dma_semaphore, #tpu.memory_space<semaphore_mem>>) src(%dma_wait3A_228 : memref<256x32xbf16, #tpu.memory_space<vmem>>) dst(%dma_wait3A_232 : memref<10112x32xbf16, #tpu.memory_space<vmem_shared>>)
        tpu.yield
      }) : () -> ()
    }
    %scan3A_189 = arith.constant 40 : i32
    %barrier3A_190 = arith.constant 0 : index
    tpu.barrier barrier_id(%barrier3A_190)
    %mul3A_191 = arith.constant 632 : i32
    %mul3A_192 = arith.muli %arg1, %mul3A_191 : i32
    %mul3A_193 = arith.constant 632 : i32
    %mul3A_194 = arith.muli %arg1, %mul3A_193 : i32
    "tpu.region"() ({
      %run_scoped3A = tpu.sem_alloc : memref<!tpu.dma_semaphore, #tpu.memory_space<semaphore_mem>>
      %dma_start3A = arith.constant 0 : i32
      %dma_start3A_195 = tpu.memref_slice %arg6[%arg0, %mul3A_194, %dma_start3A] : memref<2x10112x32xbf16, #tpu.memory_space<hbm>> -> memref<1x632x32xbf16, #tpu.memory_space<hbm>>
      %dma_start3A_196 = tpu.memref_squeeze %dma_start3A_195 : memref<1x632x32xbf16, #tpu.memory_space<hbm>> -> memref<632x32xbf16, #tpu.memory_space<hbm>>
      %dma_start3A_197 = arith.constant 0 : i32
      %dma_start3A_198 = tpu.memref_slice %arg11[%mul3A_192, %dma_start3A_197] : memref<10112x32xbf16, #tpu.memory_space<vmem_shared>> -> memref<632x32xbf16, #tpu.memory_space<vmem_shared>>
      tpu.enqueue_dma source(%dma_start3A_198 : memref<632x32xbf16, #tpu.memory_space<vmem_shared>>) target(%dma_start3A_196 : memref<632x32xbf16, #tpu.memory_space<hbm>>) target_semaphore(%run_scoped3A : memref<!tpu.dma_semaphore, #tpu.memory_space<semaphore_mem>>)
      %dma_wait3A = arith.constant 0 : i32
      %dma_wait3A_199 = tpu.memref_slice %arg6[%arg0, %mul3A_194, %dma_wait3A] : memref<2x10112x32xbf16, #tpu.memory_space<hbm>> -> memref<1x632x32xbf16, #tpu.memory_space<hbm>>
      %dma_wait3A_200 = tpu.memref_squeeze %dma_wait3A_199 : memref<1x632x32xbf16, #tpu.memory_space<hbm>> -> memref<632x32xbf16, #tpu.memory_space<hbm>>
      %dma_wait3A_201 = arith.constant 0 : i32
      %dma_wait3A_202 = tpu.memref_slice %arg11[%mul3A_192, %dma_wait3A_201] : memref<10112x32xbf16, #tpu.memory_space<vmem_shared>> -> memref<632x32xbf16, #tpu.memory_space<vmem_shared>>
      tpu.wait_dma2 semaphore(%run_scoped3A : memref<!tpu.dma_semaphore, #tpu.memory_space<semaphore_mem>>) src(%dma_wait3A_202 : memref<632x32xbf16, #tpu.memory_space<vmem_shared>>) dst(%dma_wait3A_200 : memref<632x32xbf16, #tpu.memory_space<hbm>>)
      tpu.yield
    }) : () -> ()
    return
  }
}

#map = affine_map<(d0, d1) -> (0, 0)>
#map1 = affine_map<(d0, d1) -> (0, 0, 0)>
module attributes {stable_mosaic.version = 14 : i64} {
  func.func @deg(%arg0: i32, %arg1: i32, %arg2: memref<32x10000xi32, #tpu.memory_space<hbm>>, %arg3: memref<632x8xbf16, #tpu.memory_space<hbm>>, %arg4: memref<512x8xbf16, #tpu.memory_space<hbm>>, %arg5: memref<2x10112x8xbf16, #tpu.memory_space<hbm>>, %arg6: memref<10240xi32, #tpu.memory_space<vmem>>, %arg7: memref<512x8xbf16, #tpu.memory_space<vmem>>, %arg8: memref<10112x8xbf16, #tpu.memory_space<vmem_shared>>) attributes {dimension_semantics = [#tpu.dimension_semantics<core_parallel>, #tpu.dimension_semantics<subcore_parallel>], iteration_bounds = array<i64: 2, 16>, scalar_prefetch = 0 : i64, scratch_operands = 3 : i64, tpu.core_type = #tpu.core_type<sc_vector_subcore>, window_params = [{transform_indices = #map}, {transform_indices = #map}, {transform_indices = #map}, {transform_indices = #map1}]} {
    %mul3A = arith.constant 16 : i32
    %mul3A_0 = arith.muli %arg0, %mul3A : i32
    %add3A = arith.addi %mul3A_0, %arg1 : i32
    %mul3A_1 = arith.constant 632 : i32
    %mul3A_2 = arith.muli %arg1, %mul3A_1 : i32
    "tpu.region"() ({
      %run_scoped3A = tpu.sem_alloc : memref<!tpu.dma_semaphore, #tpu.memory_space<semaphore_mem>>
      %dma_start3A = arith.constant 0 : i32
      %dma_start3A_101 = tpu.memref_slice %arg8[%mul3A_2, %dma_start3A] : memref<10112x8xbf16, #tpu.memory_space<vmem_shared>> -> memref<632x8xbf16, #tpu.memory_space<vmem_shared>>
      tpu.enqueue_dma source(%arg3 : memref<632x8xbf16, #tpu.memory_space<hbm>>) target(%dma_start3A_101 : memref<632x8xbf16, #tpu.memory_space<vmem_shared>>) target_semaphore(%run_scoped3A : memref<!tpu.dma_semaphore, #tpu.memory_space<semaphore_mem>>)
      %dma_wait3A = arith.constant 0 : i32
      %dma_wait3A_102 = tpu.memref_slice %arg8[%mul3A_2, %dma_wait3A] : memref<10112x8xbf16, #tpu.memory_space<vmem_shared>> -> memref<632x8xbf16, #tpu.memory_space<vmem_shared>>
      tpu.wait_dma2 semaphore(%run_scoped3A : memref<!tpu.dma_semaphore, #tpu.memory_space<semaphore_mem>>) src(%arg3 : memref<632x8xbf16, #tpu.memory_space<hbm>>) dst(%dma_wait3A_102 : memref<632x8xbf16, #tpu.memory_space<vmem_shared>>)
      tpu.yield
    }) : () -> ()
    "tpu.region"() ({
      %run_scoped3A = tpu.sem_alloc : memref<!tpu.dma_semaphore, #tpu.memory_space<semaphore_mem>>
      %dma_start3A = arith.constant 0 : i32
      %dma_start3A_101 = tpu.memref_slice %arg6[%dma_start3A] : memref<10240xi32, #tpu.memory_space<vmem>> -> memref<10000xi32, #tpu.memory_space<vmem>>
      %dma_start3A_102 = arith.constant 0 : i32
      %dma_start3A_103 = tpu.memref_slice %arg2[%add3A, %dma_start3A_102] : memref<32x10000xi32, #tpu.memory_space<hbm>> -> memref<1x10000xi32, #tpu.memory_space<hbm>>
      %dma_start3A_104 = tpu.memref_squeeze %dma_start3A_103 : memref<1x10000xi32, #tpu.memory_space<hbm>> -> memref<10000xi32, #tpu.memory_space<hbm>>
      %dma_start3A_105 = arith.constant 0 : i32
      %dma_start3A_106 = tpu.memref_slice %arg6[%dma_start3A_105] : memref<10240xi32, #tpu.memory_space<vmem>> -> memref<10000xi32, #tpu.memory_space<vmem>>
      %dma_start3A_107 = arith.constant 0 : i32
      %dma_start3A_108 = tpu.memref_slice %arg2[%add3A, %dma_start3A_107] : memref<32x10000xi32, #tpu.memory_space<hbm>> -> memref<1x10000xi32, #tpu.memory_space<hbm>>
      %dma_start3A_109 = tpu.memref_squeeze %dma_start3A_108 : memref<1x10000xi32, #tpu.memory_space<hbm>> -> memref<10000xi32, #tpu.memory_space<hbm>>
      tpu.enqueue_dma source(%dma_start3A_109 : memref<10000xi32, #tpu.memory_space<hbm>>) target(%dma_start3A_106 : memref<10000xi32, #tpu.memory_space<vmem>>) target_semaphore(%run_scoped3A : memref<!tpu.dma_semaphore, #tpu.memory_space<semaphore_mem>>)
      %dma_wait3A = arith.constant 0 : i32
      %dma_wait3A_110 = tpu.memref_slice %arg6[%dma_wait3A] : memref<10240xi32, #tpu.memory_space<vmem>> -> memref<10000xi32, #tpu.memory_space<vmem>>
      %dma_wait3A_111 = arith.constant 0 : i32
      %dma_wait3A_112 = tpu.memref_slice %arg2[%add3A, %dma_wait3A_111] : memref<32x10000xi32, #tpu.memory_space<hbm>> -> memref<1x10000xi32, #tpu.memory_space<hbm>>
      %dma_wait3A_113 = tpu.memref_squeeze %dma_wait3A_112 : memref<1x10000xi32, #tpu.memory_space<hbm>> -> memref<10000xi32, #tpu.memory_space<hbm>>
      %dma_wait3A_114 = arith.constant 0 : i32
      %dma_wait3A_115 = tpu.memref_slice %arg6[%dma_wait3A_114] : memref<10240xi32, #tpu.memory_space<vmem>> -> memref<10000xi32, #tpu.memory_space<vmem>>
      %dma_wait3A_116 = arith.constant 0 : i32
      %dma_wait3A_117 = tpu.memref_slice %arg2[%add3A, %dma_wait3A_116] : memref<32x10000xi32, #tpu.memory_space<hbm>> -> memref<1x10000xi32, #tpu.memory_space<hbm>>
      %dma_wait3A_118 = tpu.memref_squeeze %dma_wait3A_117 : memref<1x10000xi32, #tpu.memory_space<hbm>> -> memref<10000xi32, #tpu.memory_space<hbm>>
      tpu.wait_dma2 semaphore(%run_scoped3A : memref<!tpu.dma_semaphore, #tpu.memory_space<semaphore_mem>>) src(%dma_wait3A_118 : memref<10000xi32, #tpu.memory_space<hbm>>) dst(%dma_wait3A_115 : memref<10000xi32, #tpu.memory_space<vmem>>)
      tpu.yield
    }) : () -> ()
    "tpu.region"() ({
      %run_scoped3A = tpu.sem_alloc : memref<!tpu.dma_semaphore, #tpu.memory_space<semaphore_mem>>
      tpu.enqueue_dma source(%arg4 : memref<512x8xbf16, #tpu.memory_space<hbm>>) target(%arg7 : memref<512x8xbf16, #tpu.memory_space<vmem>>) target_semaphore(%run_scoped3A : memref<!tpu.dma_semaphore, #tpu.memory_space<semaphore_mem>>)
      tpu.wait_dma2 semaphore(%run_scoped3A : memref<!tpu.dma_semaphore, #tpu.memory_space<semaphore_mem>>) src(%arg4 : memref<512x8xbf16, #tpu.memory_space<hbm>>) dst(%arg7 : memref<512x8xbf16, #tpu.memory_space<vmem>>)
      tpu.yield
    }) : () -> ()
    %broadcast_in_dim3A = arith.constant 10000 : i32
    %broadcast_in_dim3A_3 = vector.broadcast %broadcast_in_dim3A : i32 to vector<16xi32>
    %swap3A = arith.constant 10000 : index
    %swap3A_4 = tpu.vector_load %arg6[%swap3A] {strides = array<i32>} : memref<10240xi32, #tpu.memory_space<vmem>>, vector<16xi32>,
    %swap3A_5 = vector.shape_cast %swap3A_4 : vector<16xi32> to vector<16xi32>
    %swap3A_6 = vector.shape_cast %broadcast_in_dim3A_3 : vector<16xi32> to vector<16xi32>
    tpu.vector_store %arg6[%swap3A], %swap3A_6 {strides = array<i32>} : memref<10240xi32, #tpu.memory_space<vmem>>, vector<16xi32>,
    %broadcast_in_dim3A_7 = arith.constant 10000 : i32
    %broadcast_in_dim3A_8 = vector.broadcast %broadcast_in_dim3A_7 : i32 to vector<16xi32>
    %swap3A_9 = arith.constant 10016 : index
    %swap3A_10 = tpu.vector_load %arg6[%swap3A_9] {strides = array<i32>} : memref<10240xi32, #tpu.memory_space<vmem>>, vector<16xi32>,
    %swap3A_11 = vector.shape_cast %swap3A_10 : vector<16xi32> to vector<16xi32>
    %swap3A_12 = vector.shape_cast %broadcast_in_dim3A_8 : vector<16xi32> to vector<16xi32>
    tpu.vector_store %arg6[%swap3A_9], %swap3A_12 {strides = array<i32>} : memref<10240xi32, #tpu.memory_space<vmem>>, vector<16xi32>,
    %broadcast_in_dim3A_13 = arith.constant 10000 : i32
    %broadcast_in_dim3A_14 = vector.broadcast %broadcast_in_dim3A_13 : i32 to vector<16xi32>
    %swap3A_15 = arith.constant 10032 : index
    %swap3A_16 = tpu.vector_load %arg6[%swap3A_15] {strides = array<i32>} : memref<10240xi32, #tpu.memory_space<vmem>>, vector<16xi32>,
    %swap3A_17 = vector.shape_cast %swap3A_16 : vector<16xi32> to vector<16xi32>
    %swap3A_18 = vector.shape_cast %broadcast_in_dim3A_14 : vector<16xi32> to vector<16xi32>
    tpu.vector_store %arg6[%swap3A_15], %swap3A_18 {strides = array<i32>} : memref<10240xi32, #tpu.memory_space<vmem>>, vector<16xi32>,
    %broadcast_in_dim3A_19 = arith.constant 10000 : i32
    %broadcast_in_dim3A_20 = vector.broadcast %broadcast_in_dim3A_19 : i32 to vector<16xi32>
    %swap3A_21 = arith.constant 10048 : index
    %swap3A_22 = tpu.vector_load %arg6[%swap3A_21] {strides = array<i32>} : memref<10240xi32, #tpu.memory_space<vmem>>, vector<16xi32>,
    %swap3A_23 = vector.shape_cast %swap3A_22 : vector<16xi32> to vector<16xi32>
    %swap3A_24 = vector.shape_cast %broadcast_in_dim3A_20 : vector<16xi32> to vector<16xi32>
    tpu.vector_store %arg6[%swap3A_21], %swap3A_24 {strides = array<i32>} : memref<10240xi32, #tpu.memory_space<vmem>>, vector<16xi32>,
    %broadcast_in_dim3A_25 = arith.constant 10000 : i32
    %broadcast_in_dim3A_26 = vector.broadcast %broadcast_in_dim3A_25 : i32 to vector<16xi32>
    %swap3A_27 = arith.constant 10064 : index
    %swap3A_28 = tpu.vector_load %arg6[%swap3A_27] {strides = array<i32>} : memref<10240xi32, #tpu.memory_space<vmem>>, vector<16xi32>,
    %swap3A_29 = vector.shape_cast %swap3A_28 : vector<16xi32> to vector<16xi32>
    %swap3A_30 = vector.shape_cast %broadcast_in_dim3A_26 : vector<16xi32> to vector<16xi32>
    tpu.vector_store %arg6[%swap3A_27], %swap3A_30 {strides = array<i32>} : memref<10240xi32, #tpu.memory_space<vmem>>, vector<16xi32>,
    %broadcast_in_dim3A_31 = arith.constant 10000 : i32
    %broadcast_in_dim3A_32 = vector.broadcast %broadcast_in_dim3A_31 : i32 to vector<16xi32>
    %swap3A_33 = arith.constant 10080 : index
    %swap3A_34 = tpu.vector_load %arg6[%swap3A_33] {strides = array<i32>} : memref<10240xi32, #tpu.memory_space<vmem>>, vector<16xi32>,
    %swap3A_35 = vector.shape_cast %swap3A_34 : vector<16xi32> to vector<16xi32>
    %swap3A_36 = vector.shape_cast %broadcast_in_dim3A_32 : vector<16xi32> to vector<16xi32>
    tpu.vector_store %arg6[%swap3A_33], %swap3A_36 {strides = array<i32>} : memref<10240xi32, #tpu.memory_space<vmem>>, vector<16xi32>,
    %broadcast_in_dim3A_37 = arith.constant 10000 : i32
    %broadcast_in_dim3A_38 = vector.broadcast %broadcast_in_dim3A_37 : i32 to vector<16xi32>
    %swap3A_39 = arith.constant 10096 : index
    %swap3A_40 = tpu.vector_load %arg6[%swap3A_39] {strides = array<i32>} : memref<10240xi32, #tpu.memory_space<vmem>>, vector<16xi32>,
    %swap3A_41 = vector.shape_cast %swap3A_40 : vector<16xi32> to vector<16xi32>
    %swap3A_42 = vector.shape_cast %broadcast_in_dim3A_38 : vector<16xi32> to vector<16xi32>
    tpu.vector_store %arg6[%swap3A_39], %swap3A_42 {strides = array<i32>} : memref<10240xi32, #tpu.memory_space<vmem>>, vector<16xi32>,
    %broadcast_in_dim3A_43 = arith.constant 10000 : i32
    %broadcast_in_dim3A_44 = vector.broadcast %broadcast_in_dim3A_43 : i32 to vector<16xi32>
    %swap3A_45 = arith.constant 10112 : index
    %swap3A_46 = tpu.vector_load %arg6[%swap3A_45] {strides = array<i32>} : memref<10240xi32, #tpu.memory_space<vmem>>, vector<16xi32>,
    %swap3A_47 = vector.shape_cast %swap3A_46 : vector<16xi32> to vector<16xi32>
    %swap3A_48 = vector.shape_cast %broadcast_in_dim3A_44 : vector<16xi32> to vector<16xi32>
    tpu.vector_store %arg6[%swap3A_45], %swap3A_48 {strides = array<i32>} : memref<10240xi32, #tpu.memory_space<vmem>>, vector<16xi32>,
    %broadcast_in_dim3A_49 = arith.constant 10000 : i32
    %broadcast_in_dim3A_50 = vector.broadcast %broadcast_in_dim3A_49 : i32 to vector<16xi32>
    %swap3A_51 = arith.constant 10128 : index
    %swap3A_52 = tpu.vector_load %arg6[%swap3A_51] {strides = array<i32>} : memref<10240xi32, #tpu.memory_space<vmem>>, vector<16xi32>,
    %swap3A_53 = vector.shape_cast %swap3A_52 : vector<16xi32> to vector<16xi32>
    %swap3A_54 = vector.shape_cast %broadcast_in_dim3A_50 : vector<16xi32> to vector<16xi32>
    tpu.vector_store %arg6[%swap3A_51], %swap3A_54 {strides = array<i32>} : memref<10240xi32, #tpu.memory_space<vmem>>, vector<16xi32>,
    %broadcast_in_dim3A_55 = arith.constant 10000 : i32
    %broadcast_in_dim3A_56 = vector.broadcast %broadcast_in_dim3A_55 : i32 to vector<16xi32>
    %swap3A_57 = arith.constant 10144 : index
    %swap3A_58 = tpu.vector_load %arg6[%swap3A_57] {strides = array<i32>} : memref<10240xi32, #tpu.memory_space<vmem>>, vector<16xi32>,
    %swap3A_59 = vector.shape_cast %swap3A_58 : vector<16xi32> to vector<16xi32>
    %swap3A_60 = vector.shape_cast %broadcast_in_dim3A_56 : vector<16xi32> to vector<16xi32>
    tpu.vector_store %arg6[%swap3A_57], %swap3A_60 {strides = array<i32>} : memref<10240xi32, #tpu.memory_space<vmem>>, vector<16xi32>,
    %broadcast_in_dim3A_61 = arith.constant 10000 : i32
    %broadcast_in_dim3A_62 = vector.broadcast %broadcast_in_dim3A_61 : i32 to vector<16xi32>
    %swap3A_63 = arith.constant 10160 : index
    %swap3A_64 = tpu.vector_load %arg6[%swap3A_63] {strides = array<i32>} : memref<10240xi32, #tpu.memory_space<vmem>>, vector<16xi32>,
    %swap3A_65 = vector.shape_cast %swap3A_64 : vector<16xi32> to vector<16xi32>
    %swap3A_66 = vector.shape_cast %broadcast_in_dim3A_62 : vector<16xi32> to vector<16xi32>
    tpu.vector_store %arg6[%swap3A_63], %swap3A_66 {strides = array<i32>} : memref<10240xi32, #tpu.memory_space<vmem>>, vector<16xi32>,
    %broadcast_in_dim3A_67 = arith.constant 10000 : i32
    %broadcast_in_dim3A_68 = vector.broadcast %broadcast_in_dim3A_67 : i32 to vector<16xi32>
    %swap3A_69 = arith.constant 10176 : index
    %swap3A_70 = tpu.vector_load %arg6[%swap3A_69] {strides = array<i32>} : memref<10240xi32, #tpu.memory_space<vmem>>, vector<16xi32>,
    %swap3A_71 = vector.shape_cast %swap3A_70 : vector<16xi32> to vector<16xi32>
    %swap3A_72 = vector.shape_cast %broadcast_in_dim3A_68 : vector<16xi32> to vector<16xi32>
    tpu.vector_store %arg6[%swap3A_69], %swap3A_72 {strides = array<i32>} : memref<10240xi32, #tpu.memory_space<vmem>>, vector<16xi32>,
    %broadcast_in_dim3A_73 = arith.constant 10000 : i32
    %broadcast_in_dim3A_74 = vector.broadcast %broadcast_in_dim3A_73 : i32 to vector<16xi32>
    %swap3A_75 = arith.constant 10192 : index
    %swap3A_76 = tpu.vector_load %arg6[%swap3A_75] {strides = array<i32>} : memref<10240xi32, #tpu.memory_space<vmem>>, vector<16xi32>,
    %swap3A_77 = vector.shape_cast %swap3A_76 : vector<16xi32> to vector<16xi32>
    %swap3A_78 = vector.shape_cast %broadcast_in_dim3A_74 : vector<16xi32> to vector<16xi32>
    tpu.vector_store %arg6[%swap3A_75], %swap3A_78 {strides = array<i32>} : memref<10240xi32, #tpu.memory_space<vmem>>, vector<16xi32>,
    %broadcast_in_dim3A_79 = arith.constant 10000 : i32
    %broadcast_in_dim3A_80 = vector.broadcast %broadcast_in_dim3A_79 : i32 to vector<16xi32>
    %swap3A_81 = arith.constant 10208 : index
    %swap3A_82 = tpu.vector_load %arg6[%swap3A_81] {strides = array<i32>} : memref<10240xi32, #tpu.memory_space<vmem>>, vector<16xi32>,
    %swap3A_83 = vector.shape_cast %swap3A_82 : vector<16xi32> to vector<16xi32>
    %swap3A_84 = vector.shape_cast %broadcast_in_dim3A_80 : vector<16xi32> to vector<16xi32>
    tpu.vector_store %arg6[%swap3A_81], %swap3A_84 {strides = array<i32>} : memref<10240xi32, #tpu.memory_space<vmem>>, vector<16xi32>,
    %broadcast_in_dim3A_85 = arith.constant 10000 : i32
    %broadcast_in_dim3A_86 = vector.broadcast %broadcast_in_dim3A_85 : i32 to vector<16xi32>
    %swap3A_87 = arith.constant 10224 : index
    %swap3A_88 = tpu.vector_load %arg6[%swap3A_87] {strides = array<i32>} : memref<10240xi32, #tpu.memory_space<vmem>>, vector<16xi32>,
    %swap3A_89 = vector.shape_cast %swap3A_88 : vector<16xi32> to vector<16xi32>
    %swap3A_90 = vector.shape_cast %broadcast_in_dim3A_86 : vector<16xi32> to vector<16xi32>
    tpu.vector_store %arg6[%swap3A_87], %swap3A_90 {strides = array<i32>} : memref<10240xi32, #tpu.memory_space<vmem>>, vector<16xi32>,
    %barrier3A = arith.constant 0 : index
    tpu.barrier barrier_id(%barrier3A)
    %scan3A = arith.constant 0 : i32
    %scan3A_91 = arith.constant 0 : i32
    %scan3A_92 = arith.constant 20 : i32
    %scan3A_93 = arith.addi %scan3A_91, %scan3A_92 : i32
    %scan3A_94 = arith.constant 1 : i32
    scf.for %scan3A_101 = %scan3A_91 to %scan3A_93 step %scan3A_94  : i32 {
      %mul3A_102 = arith.constant 512 : i32
      %mul3A_103 = arith.muli %scan3A_101, %mul3A_102 : i32
      "tpu.region"() ({
        %run_scoped3A = tpu.sem_alloc : memref<!tpu.dma_semaphore, #tpu.memory_space<semaphore_mem>>
        %dma_start3A = tpu.memref_slice %arg6[%mul3A_103] : memref<10240xi32, #tpu.memory_space<vmem>> -> memref<512xi32, #tpu.memory_space<vmem>>
        %dma_start3A_104 = arith.constant 0 : i32
        %dma_start3A_105 = arith.constant 0 : i32
        %dma_start3A_106 = tpu.memref_slice %arg8[%dma_start3A_104, %dma_start3A_105] : memref<10112x8xbf16, #tpu.memory_space<vmem_shared>> -> memref<10112x8xbf16, #tpu.memory_space<vmem_shared>>
        tpu.enqueue_indirect_dma source(%arg7 : memref<512x8xbf16, #tpu.memory_space<vmem>>) target(%dma_start3A_106 : memref<10112x8xbf16, #tpu.memory_space<vmem_shared>>) offsets(%dma_start3A : memref<512xi32, #tpu.memory_space<vmem>>) semaphore(%run_scoped3A : memref<!tpu.dma_semaphore, #tpu.memory_space<semaphore_mem>>) {add = true}
        %dma_wait3A = tpu.memref_slice %arg6[%mul3A_103] : memref<10240xi32, #tpu.memory_space<vmem>> -> memref<512xi32, #tpu.memory_space<vmem>>
        %dma_wait3A_107 = arith.constant 0 : i32
        %dma_wait3A_108 = arith.constant 0 : i32
        %dma_wait3A_109 = tpu.memref_slice %arg8[%dma_wait3A_107, %dma_wait3A_108] : memref<10112x8xbf16, #tpu.memory_space<vmem_shared>> -> memref<10112x8xbf16, #tpu.memory_space<vmem_shared>>
        tpu.wait_indirect_dma semaphore(%run_scoped3A : memref<!tpu.dma_semaphore, #tpu.memory_space<semaphore_mem>>) src(%arg7 : memref<512x8xbf16, #tpu.memory_space<vmem>>) dst(%dma_wait3A_109 : memref<10112x8xbf16, #tpu.memory_space<vmem_shared>>)
        tpu.yield
      }) : () -> ()
    }
    %scan3A_95 = arith.constant 20 : i32
    %barrier3A_96 = arith.constant 0 : index
    tpu.barrier barrier_id(%barrier3A_96)
    %mul3A_97 = arith.constant 632 : i32
    %mul3A_98 = arith.muli %arg1, %mul3A_97 : i32
    %mul3A_99 = arith.constant 632 : i32
    %mul3A_100 = arith.muli %arg1, %mul3A_99 : i32
    "tpu.region"() ({
      %run_scoped3A = tpu.sem_alloc : memref<!tpu.dma_semaphore, #tpu.memory_space<semaphore_mem>>
      %dma_start3A = arith.constant 0 : i32
      %dma_start3A_101 = tpu.memref_slice %arg5[%arg0, %mul3A_100, %dma_start3A] : memref<2x10112x8xbf16, #tpu.memory_space<hbm>> -> memref<1x632x8xbf16, #tpu.memory_space<hbm>>
      %dma_start3A_102 = tpu.memref_squeeze %dma_start3A_101 : memref<1x632x8xbf16, #tpu.memory_space<hbm>> -> memref<632x8xbf16, #tpu.memory_space<hbm>>
      %dma_start3A_103 = arith.constant 0 : i32
      %dma_start3A_104 = tpu.memref_slice %arg8[%mul3A_98, %dma_start3A_103] : memref<10112x8xbf16, #tpu.memory_space<vmem_shared>> -> memref<632x8xbf16, #tpu.memory_space<vmem_shared>>
      tpu.enqueue_dma source(%dma_start3A_104 : memref<632x8xbf16, #tpu.memory_space<vmem_shared>>) target(%dma_start3A_102 : memref<632x8xbf16, #tpu.memory_space<hbm>>) target_semaphore(%run_scoped3A : memref<!tpu.dma_semaphore, #tpu.memory_space<semaphore_mem>>)
      %dma_wait3A = arith.constant 0 : i32
      %dma_wait3A_105 = tpu.memref_slice %arg5[%arg0, %mul3A_100, %dma_wait3A] : memref<2x10112x8xbf16, #tpu.memory_space<hbm>> -> memref<1x632x8xbf16, #tpu.memory_space<hbm>>
      %dma_wait3A_106 = tpu.memref_squeeze %dma_wait3A_105 : memref<1x632x8xbf16, #tpu.memory_space<hbm>> -> memref<632x8xbf16, #tpu.memory_space<hbm>>
      %dma_wait3A_107 = arith.constant 0 : i32
      %dma_wait3A_108 = tpu.memref_slice %arg8[%mul3A_98, %dma_wait3A_107] : memref<10112x8xbf16, #tpu.memory_space<vmem_shared>> -> memref<632x8xbf16, #tpu.memory_space<vmem_shared>>
      tpu.wait_dma2 semaphore(%run_scoped3A : memref<!tpu.dma_semaphore, #tpu.memory_space<semaphore_mem>>) src(%dma_wait3A_108 : memref<632x8xbf16, #tpu.memory_space<vmem_shared>>) dst(%dma_wait3A_106 : memref<632x8xbf16, #tpu.memory_space<hbm>>)
      tpu.yield
    }) : () -> ()
    return
  }
}

module attributes {stable_mosaic.version = 14 : i64} {
  func.func @body(%arg0: i32, %arg1: memref<2000x128xf32, #tpu.memory_space<vmem>>, %arg2: memref<128x64xf32, #tpu.memory_space<vmem>>, %arg3: memref<2x2000x8xbf16, #tpu.memory_space<vmem>>, %arg4: memref<2000x64xbf16, #tpu.memory_space<vmem>>, %arg5: memref<2000x64xbf16, #tpu.memory_space<vmem>>) attributes {dimension_semantics = [#tpu.dimension_semantics<arbitrary>], iteration_bounds = array<i64: 5>, scalar_prefetch = 0 : i64, scratch_operands = 0 : i64, tpu.core_type = #tpu.core_type<tc>, window_params = [{transform_indices = @transform_0, window_bounds = array<i64: 2000, 128>}, {pipeline_mode = #tpu.pipeline_mode<synchronous>, transform_indices = @transform_1, window_bounds = array<i64: 128, 64>}, {transform_indices = @transform_2, window_bounds = array<i64: 2, 2000, 8>}, {transform_indices = @transform_3, window_bounds = array<i64: 2000, 64>}, {transform_indices = @transform_4, window_bounds = array<i64: 2000, 64>}]} {
    %get3A = arith.constant 0 : index
    %get3A_0 = arith.constant 0 : index
    %get3A_1 = arith.constant 0 : index
    %get3A_2 = vector.load %arg3[%get3A, %get3A_0, %get3A_1] : memref<2x2000x8xbf16, #tpu.memory_space<vmem>>, vector<2x2000x8xbf16>
    %slice3A = vector.extract_strided_slice %get3A_2 {offsets = [0, 0, 0], sizes = [1, 2000, 1], strides = [1, 1, 1]} : vector<2x2000x8xbf16> to vector<1x2000x1xbf16>
    %squeeze3A = vector.shape_cast %slice3A : vector<1x2000x1xbf16> to vector<2000x1xbf16>
    %slice3A_3 = vector.extract_strided_slice %get3A_2 {offsets = [1, 0, 0], sizes = [1, 2000, 1], strides = [1, 1, 1]} : vector<2x2000x8xbf16> to vector<1x2000x1xbf16>
    %squeeze3A_4 = vector.shape_cast %slice3A_3 : vector<1x2000x1xbf16> to vector<2000x1xbf16>
    %add3A = arith.addf %squeeze3A, %squeeze3A_4 : vector<2000x1xbf16>
    %convert_element_type3A = arith.extf %add3A : vector<2000x1xbf16> to vector<2000x1xf32>
    %add3A_5 = arith.constant 1.000000e+00 : f32
    %add3A_6 = vector.broadcast %add3A_5 : f32 to vector<2000x1xf32>
    %add3A_7 = arith.addf %convert_element_type3A, %add3A_6 : vector<2000x1xf32>
    %rsqrt3A = math.rsqrt %add3A_7 : vector<2000x1xf32>
    %get3A_8 = arith.constant 0 : index
    %get3A_9 = arith.constant 0 : index
    %get3A_10 = vector.load %arg1[%get3A_8, %get3A_9] : memref<2000x128xf32, #tpu.memory_space<vmem>>, vector<2000x128xf32>
    %get3A_11 = arith.constant 0 : index
    %get3A_12 = arith.constant 0 : index
    %get3A_13 = vector.load %arg2[%get3A_11, %get3A_12] : memref<128x64xf32, #tpu.memory_space<vmem>>, vector<128x64xf32>
    %dot_general3A = arith.constant dense<0.000000e+00> : vector<2000x64xf32>
    %dot_general3A_14 = tpu.matmul %get3A_10, %get3A_13, %dot_general3A {dimension_numbers = #tpu.dot_dimension_numbers<[1], [0], [0], [1], [0, 0, 1, 1], [], []>, transpose_lhs_hint = false} : vector<2000x128xf32>, vector<128x64xf32>, vector<2000x64xf32> -> vector<2000x64xf32>
    %mul3A = vector.broadcast %rsqrt3A : vector<2000x1xf32> to vector<2000x64xf32>
    %mul3A_15 = arith.mulf %dot_general3A_14, %mul3A : vector<2000x64xf32>
    %convert_element_type3A_16 = arith.truncf %mul3A_15 : vector<2000x64xf32> to vector<2000x64xbf16>
    %swap3A = arith.constant 0 : index
    %swap3A_17 = arith.constant 0 : index
    %swap3A_18 = vector.load %arg4[%swap3A, %swap3A_17] : memref<2000x64xbf16, #tpu.memory_space<vmem>>, vector<2000x64xbf16>
    tpu.vector_store %arg4[%swap3A, %swap3A_17], %convert_element_type3A_16 {strides = array<i32>} : memref<2000x64xbf16, #tpu.memory_space<vmem>>, vector<2000x64xbf16>,
    %broadcast_in_dim3A = vector.shape_cast %rsqrt3A : vector<2000x1xf32> to vector<2000x1xf32>
    %broadcast_in_dim3A_19 = vector.broadcast %broadcast_in_dim3A : vector<2000x1xf32> to vector<2000x64xf32>
    %convert_element_type3A_20 = arith.truncf %broadcast_in_dim3A_19 : vector<2000x64xf32> to vector<2000x64xbf16>
    %swap3A_21 = arith.constant 0 : index
    %swap3A_22 = arith.constant 0 : index
    %swap3A_23 = vector.load %arg5[%swap3A_21, %swap3A_22] : memref<2000x64xbf16, #tpu.memory_space<vmem>>, vector<2000x64xbf16>
    tpu.vector_store %arg5[%swap3A_21, %swap3A_22], %convert_element_type3A_20 {strides = array<i32>} : memref<2000x64xbf16, #tpu.memory_space<vmem>>, vector<2000x64xbf16>,
    return
  }
  func.func @transform_0(%arg0: i32) -> (i32, i32) {
    %c0_i32 = arith.constant 0 : i32
    %c0_i32_0 = arith.constant 0 : i32
    return %arg0, %c0_i32 : i32, i32
  }
  func.func @transform_1(%arg0: i32) -> (i32, i32) {
    %c0_i32 = arith.constant 0 : i32
    %c0_i32_0 = arith.constant 0 : i32
    %c0_i32_1 = arith.constant 0 : i32
    return %c0_i32, %c0_i32_0 : i32, i32
  }
  func.func @transform_2(%arg0: i32) -> (i32, i32, i32) {
    %c0_i32 = arith.constant 0 : i32
    %c0_i32_0 = arith.constant 0 : i32
    %c0_i32_1 = arith.constant 0 : i32
    return %c0_i32, %arg0, %c0_i32_0 : i32, i32, i32
  }
  func.func @transform_3(%arg0: i32) -> (i32, i32) {
    %c0_i32 = arith.constant 0 : i32
    %c0_i32_0 = arith.constant 0 : i32
    return %arg0, %c0_i32 : i32, i32
  }
  func.func @transform_4(%arg0: i32) -> (i32, i32) {
    %c0_i32 = arith.constant 0 : i32
    %c0_i32_0 = arith.constant 0 : i32
    return %arg0, %c0_i32 : i32, i32
  }
}

module attributes {stable_mosaic.version = 14 : i64} {
  func.func @body(%arg0: i32, %arg1: memref<2000x64xbf16, #tpu.memory_space<vmem>>, %arg2: memref<2x2000x64xbf16, #tpu.memory_space<vmem>>, %arg3: memref<2000x64xbf16, #tpu.memory_space<vmem>>, %arg4: memref<1x64xf32, #tpu.memory_space<vmem>>, %arg5: memref<64x32xf32, #tpu.memory_space<vmem>>, %arg6: memref<2000x32xbf16, #tpu.memory_space<vmem>>) attributes {dimension_semantics = [#tpu.dimension_semantics<arbitrary>], iteration_bounds = array<i64: 5>, scalar_prefetch = 0 : i64, scratch_operands = 0 : i64, tpu.core_type = #tpu.core_type<tc>, window_params = [{transform_indices = @transform_0, window_bounds = array<i64: 2000, 64>}, {transform_indices = @transform_1, window_bounds = array<i64: 2, 2000, 64>}, {transform_indices = @transform_2, window_bounds = array<i64: 2000, 64>}, {pipeline_mode = #tpu.pipeline_mode<synchronous>, transform_indices = @transform_3, window_bounds = array<i64: 1, 64>}, {pipeline_mode = #tpu.pipeline_mode<synchronous>, transform_indices = @transform_4, window_bounds = array<i64: 64, 32>}, {transform_indices = @transform_5, window_bounds = array<i64: 2000, 32>}]} {
    %get3A = arith.constant 0 : index
    %get3A_0 = arith.constant 0 : index
    %get3A_1 = vector.load %arg3[%get3A, %get3A_0] : memref<2000x64xbf16, #tpu.memory_space<vmem>>, vector<2000x64xbf16>
    %convert_element_type3A = arith.extf %get3A_1 : vector<2000x64xbf16> to vector<2000x64xf32>
    %get3A_2 = arith.constant 0 : index
    %get3A_3 = arith.constant 0 : index
    %get3A_4 = arith.constant 0 : index
    %get3A_5 = vector.load %arg2[%get3A_2, %get3A_3, %get3A_4] : memref<2x2000x64xbf16, #tpu.memory_space<vmem>>, vector<1x2000x64xbf16>
    %get3A_6 = vector.shape_cast %get3A_5 : vector<1x2000x64xbf16> to vector<2000x64xbf16>
    %get3A_7 = arith.constant 1 : index
    %get3A_8 = arith.constant 0 : index
    %get3A_9 = arith.constant 0 : index
    %get3A_10 = vector.load %arg2[%get3A_7, %get3A_8, %get3A_9] : memref<2x2000x64xbf16, #tpu.memory_space<vmem>>, vector<1x2000x64xbf16>
    %get3A_11 = vector.shape_cast %get3A_10 : vector<1x2000x64xbf16> to vector<2000x64xbf16>
    %add3A = arith.addf %get3A_6, %get3A_11 : vector<2000x64xbf16>
    %get3A_12 = arith.constant 0 : index
    %get3A_13 = arith.constant 0 : index
    %get3A_14 = vector.load %arg1[%get3A_12, %get3A_13] : memref<2000x64xbf16, #tpu.memory_space<vmem>>, vector<2000x64xbf16>
    %add3A_15 = arith.addf %add3A, %get3A_14 : vector<2000x64xbf16>
    %convert_element_type3A_16 = arith.extf %add3A_15 : vector<2000x64xbf16> to vector<2000x64xf32>
    %mul3A = arith.mulf %convert_element_type3A_16, %convert_element_type3A : vector<2000x64xf32>
    %get3A_17 = arith.constant 0 : index
    %get3A_18 = arith.constant 0 : index
    %get3A_19 = vector.load %arg4[%get3A_17, %get3A_18] : memref<1x64xf32, #tpu.memory_space<vmem>>, vector<1x64xf32>
    %add3A_20 = vector.broadcast %get3A_19 : vector<1x64xf32> to vector<2000x64xf32>
    %add3A_21 = arith.addf %mul3A, %add3A_20 : vector<2000x64xf32>
    %max3A = arith.constant 0.000000e+00 : f32
    %max3A_22 = vector.broadcast %max3A : f32 to vector<2000x64xf32>
    %max3A_23 = arith.maximumf %add3A_21, %max3A_22 : vector<2000x64xf32>
    %get3A_24 = arith.constant 0 : index
    %get3A_25 = arith.constant 0 : index
    %get3A_26 = vector.load %arg5[%get3A_24, %get3A_25] : memref<64x32xf32, #tpu.memory_space<vmem>>, vector<64x32xf32>
    %dot_general3A = arith.constant dense<0.000000e+00> : vector<2000x32xf32>
    %dot_general3A_27 = tpu.matmul %max3A_23, %get3A_26, %dot_general3A {dimension_numbers = #tpu.dot_dimension_numbers<[1], [0], [0], [1], [0, 0, 1, 1], [], []>, transpose_lhs_hint = false} : vector<2000x64xf32>, vector<64x32xf32>, vector<2000x32xf32> -> vector<2000x32xf32>
    %slice3A = vector.extract_strided_slice %convert_element_type3A {offsets = [0, 0], sizes = [2000, 32], strides = [1, 1]} : vector<2000x64xf32> to vector<2000x32xf32>
    %mul3A_28 = arith.mulf %dot_general3A_27, %slice3A : vector<2000x32xf32>
    %convert_element_type3A_29 = arith.truncf %mul3A_28 : vector<2000x32xf32> to vector<2000x32xbf16>
    %swap3A = arith.constant 0 : index
    %swap3A_30 = arith.constant 0 : index
    %swap3A_31 = vector.load %arg6[%swap3A, %swap3A_30] : memref<2000x32xbf16, #tpu.memory_space<vmem>>, vector<2000x32xbf16>
    tpu.vector_store %arg6[%swap3A, %swap3A_30], %convert_element_type3A_29 {strides = array<i32>} : memref<2000x32xbf16, #tpu.memory_space<vmem>>, vector<2000x32xbf16>,
    return
  }
  func.func @transform_0(%arg0: i32) -> (i32, i32) {
    %c0_i32 = arith.constant 0 : i32
    %c0_i32_0 = arith.constant 0 : i32
    return %arg0, %c0_i32 : i32, i32
  }
  func.func @transform_1(%arg0: i32) -> (i32, i32, i32) {
    %c0_i32 = arith.constant 0 : i32
    %c0_i32_0 = arith.constant 0 : i32
    %c0_i32_1 = arith.constant 0 : i32
    return %c0_i32, %arg0, %c0_i32_0 : i32, i32, i32
  }
  func.func @transform_2(%arg0: i32) -> (i32, i32) {
    %c0_i32 = arith.constant 0 : i32
    %c0_i32_0 = arith.constant 0 : i32
    return %arg0, %c0_i32 : i32, i32
  }
  func.func @transform_3(%arg0: i32) -> (i32, i32) {
    %c0_i32 = arith.constant 0 : i32
    %c0_i32_0 = arith.constant 0 : i32
    %c0_i32_1 = arith.constant 0 : i32
    return %c0_i32, %c0_i32_0 : i32, i32
  }
  func.func @transform_4(%arg0: i32) -> (i32, i32) {
    %c0_i32 = arith.constant 0 : i32
    %c0_i32_0 = arith.constant 0 : i32
    %c0_i32_1 = arith.constant 0 : i32
    return %c0_i32, %c0_i32_0 : i32, i32
  }
  func.func @transform_5(%arg0: i32) -> (i32, i32) {
    %c0_i32 = arith.constant 0 : i32
    %c0_i32_0 = arith.constant 0 : i32
    return %arg0, %c0_i32 : i32, i32
  }
}

module attributes {stable_mosaic.version = 14 : i64} {
  func.func @body(%arg0: i32, %arg1: memref<2000x32xbf16, #tpu.memory_space<vmem>>, %arg2: memref<2x2000x32xbf16, #tpu.memory_space<vmem>>, %arg3: memref<2000x64xbf16, #tpu.memory_space<vmem>>, %arg4: memref<1x32xf32, #tpu.memory_space<vmem>>, %arg5: memref<32x1xf32, #tpu.memory_space<vmem>>, %arg6: memref<1x1xf32, #tpu.memory_space<vmem>>, %arg7: memref<1x1xf32, #tpu.memory_space<vmem>>, %arg8: memref<1x32xf32, #tpu.memory_space<vmem>>) attributes {dimension_semantics = [#tpu.dimension_semantics<arbitrary>], iteration_bounds = array<i64: 5>, scalar_prefetch = 0 : i64, scratch_operands = 1 : i64, tpu.core_type = #tpu.core_type<tc>, window_params = [{transform_indices = @transform_0, window_bounds = array<i64: 2000, 32>}, {transform_indices = @transform_1, window_bounds = array<i64: 2, 2000, 32>}, {transform_indices = @transform_2, window_bounds = array<i64: 2000, 64>}, {pipeline_mode = #tpu.pipeline_mode<synchronous>, transform_indices = @transform_3, window_bounds = array<i64: 1, 32>}, {pipeline_mode = #tpu.pipeline_mode<synchronous>, transform_indices = @transform_4, window_bounds = array<i64: 32, 1>}, {pipeline_mode = #tpu.pipeline_mode<synchronous>, transform_indices = @transform_5, window_bounds = array<i64: 1, 1>}, {pipeline_mode = #tpu.pipeline_mode<synchronous>, transform_indices = @transform_6, window_bounds = array<i64: 1, 1>}]} {
    %get3A = arith.constant 0 : index
    %get3A_0 = arith.constant 0 : index
    %get3A_1 = vector.load %arg3[%get3A, %get3A_0] : memref<2000x64xbf16, #tpu.memory_space<vmem>>, vector<2000x64xbf16>
    %slice3A = vector.extract_strided_slice %get3A_1 {offsets = [0, 0], sizes = [2000, 32], strides = [1, 1]} : vector<2000x64xbf16> to vector<2000x32xbf16>
    %convert_element_type3A = arith.extf %slice3A : vector<2000x32xbf16> to vector<2000x32xf32>
    %get3A_2 = arith.constant 0 : index
    %get3A_3 = arith.constant 0 : index
    %get3A_4 = arith.constant 0 : index
    %get3A_5 = vector.load %arg2[%get3A_2, %get3A_3, %get3A_4] : memref<2x2000x32xbf16, #tpu.memory_space<vmem>>, vector<1x2000x32xbf16>
    %get3A_6 = vector.shape_cast %get3A_5 : vector<1x2000x32xbf16> to vector<2000x32xbf16>
    %get3A_7 = arith.constant 1 : index
    %get3A_8 = arith.constant 0 : index
    %get3A_9 = arith.constant 0 : index
    %get3A_10 = vector.load %arg2[%get3A_7, %get3A_8, %get3A_9] : memref<2x2000x32xbf16, #tpu.memory_space<vmem>>, vector<1x2000x32xbf16>
    %get3A_11 = vector.shape_cast %get3A_10 : vector<1x2000x32xbf16> to vector<2000x32xbf16>
    %add3A = arith.addf %get3A_6, %get3A_11 : vector<2000x32xbf16>
    %get3A_12 = arith.constant 0 : index
    %get3A_13 = arith.constant 0 : index
    %get3A_14 = vector.load %arg1[%get3A_12, %get3A_13] : memref<2000x32xbf16, #tpu.memory_space<vmem>>, vector<2000x32xbf16>
    %add3A_15 = arith.addf %add3A, %get3A_14 : vector<2000x32xbf16>
    %convert_element_type3A_16 = arith.extf %add3A_15 : vector<2000x32xbf16> to vector<2000x32xf32>
    %mul3A = arith.mulf %convert_element_type3A_16, %convert_element_type3A : vector<2000x32xf32>
    %get3A_17 = arith.constant 0 : index
    %get3A_18 = arith.constant 0 : index
    %get3A_19 = vector.load %arg4[%get3A_17, %get3A_18] : memref<1x32xf32, #tpu.memory_space<vmem>>, vector<1x32xf32>
    %add3A_20 = vector.broadcast %get3A_19 : vector<1x32xf32> to vector<2000x32xf32>
    %add3A_21 = arith.addf %mul3A, %add3A_20 : vector<2000x32xf32>
    %max3A = arith.constant 0.000000e+00 : f32
    %max3A_22 = vector.broadcast %max3A : f32 to vector<2000x32xf32>
    %max3A_23 = arith.maximumf %add3A_21, %max3A_22 : vector<2000x32xf32>
    %reduce_sum3A = arith.constant dense<0.000000e+00> : vector<32xf32>
    %reduce_sum3A_24 = vector.multi_reduction <add>, %max3A_23, %reduce_sum3A [0] : vector<2000x32xf32> to vector<32xf32>
    %broadcast_in_dim3A = vector.shape_cast %reduce_sum3A_24 : vector<32xf32> to vector<1x32xf32>
    %eq3A = arith.constant 0 : i32
    %eq3A_25 = arith.cmpi eq, %arg0, %eq3A : i32
    %convert_element_type3A_26 = arith.extui %eq3A_25 : i1 to i32
    %cond3A = arith.constant 0 : i32
    %cond3A_27 = arith.cmpi ne, %convert_element_type3A_26, %cond3A : i32
    scf.if %cond3A_27 {
      %swap3A = arith.constant 0 : index
      %swap3A_37 = arith.constant 0 : index
      %swap3A_38 = vector.load %arg8[%swap3A, %swap3A_37] : memref<1x32xf32, #tpu.memory_space<vmem>>, vector<1x32xf32>
      tpu.vector_store %arg8[%swap3A, %swap3A_37], %broadcast_in_dim3A {strides = array<i32>} : memref<1x32xf32, #tpu.memory_space<vmem>>, vector<1x32xf32>,
    } else {
    }
    %gt3A = arith.constant 0 : i32
    %gt3A_28 = arith.cmpi sgt, %arg0, %gt3A : i32
    %convert_element_type3A_29 = arith.extui %gt3A_28 : i1 to i32
    %cond3A_30 = arith.constant 0 : i32
    %cond3A_31 = arith.cmpi ne, %convert_element_type3A_29, %cond3A_30 : i32
    scf.if %cond3A_31 {
      %get3A_37 = arith.constant 0 : index
      %get3A_38 = arith.constant 0 : index
      %get3A_39 = vector.load %arg8[%get3A_37, %get3A_38] : memref<1x32xf32, #tpu.memory_space<vmem>>, vector<1x32xf32>
      %add3A_40 = arith.addf %get3A_39, %broadcast_in_dim3A : vector<1x32xf32>
      %swap3A = arith.constant 0 : index
      %swap3A_41 = arith.constant 0 : index
      %swap3A_42 = vector.load %arg8[%swap3A, %swap3A_41] : memref<1x32xf32, #tpu.memory_space<vmem>>, vector<1x32xf32>
      tpu.vector_store %arg8[%swap3A, %swap3A_41], %add3A_40 {strides = array<i32>} : memref<1x32xf32, #tpu.memory_space<vmem>>, vector<1x32xf32>,
    } else {
    }
    %eq3A_32 = arith.constant 4 : i32
    %eq3A_33 = arith.cmpi eq, %arg0, %eq3A_32 : i32
    %convert_element_type3A_34 = arith.extui %eq3A_33 : i1 to i32
    %cond3A_35 = arith.constant 0 : i32
    %cond3A_36 = arith.cmpi ne, %convert_element_type3A_34, %cond3A_35 : i32
    scf.if %cond3A_36 {
      %get3A_37 = arith.constant 0 : index
      %get3A_38 = arith.constant 0 : index
      %get3A_39 = vector.load %arg8[%get3A_37, %get3A_38] : memref<1x32xf32, #tpu.memory_space<vmem>>, vector<1x32xf32>
      %mul3A_40 = arith.constant 9.99999974E-5 : f32
      %mul3A_41 = vector.broadcast %mul3A_40 : f32 to vector<1x32xf32>
      %mul3A_42 = arith.mulf %get3A_39, %mul3A_41 : vector<1x32xf32>
      %get3A_43 = arith.constant 0 : index
      %get3A_44 = arith.constant 0 : index
      %get3A_45 = vector.load %arg5[%get3A_43, %get3A_44] : memref<32x1xf32, #tpu.memory_space<vmem>>, vector<32x1xf32>
      %dot_general3A = arith.constant dense<0.000000e+00> : vector<1x1xf32>
      %dot_general3A_46 = tpu.matmul %mul3A_42, %get3A_45, %dot_general3A {dimension_numbers = #tpu.dot_dimension_numbers<[1], [0], [0], [1], [0, 0, 1, 1], [], []>, transpose_lhs_hint = false} : vector<1x32xf32>, vector<32x1xf32>, vector<1x1xf32> -> vector<1x1xf32>
      %get3A_47 = arith.constant 0 : index
      %get3A_48 = arith.constant 0 : index
      %get3A_49 = vector.load %arg6[%get3A_47, %get3A_48] : memref<1x1xf32, #tpu.memory_space<vmem>>, vector<1x1xf32>
      %add3A_50 = arith.addf %dot_general3A_46, %get3A_49 : vector<1x1xf32>
      %neg3A = arith.constant 0.000000e+00 : f32
      %neg3A_51 = vector.broadcast %neg3A : f32 to vector<1x1xf32>
      %neg3A_52 = arith.subf %neg3A_51, %add3A_50 : vector<1x1xf32>
      %exp3A = math.exp %neg3A_52 : vector<1x1xf32>
      %add3A_53 = arith.constant 1.000000e+00 : f32
      %add3A_54 = vector.broadcast %add3A_53 : f32 to vector<1x1xf32>
      %add3A_55 = arith.addf %add3A_54, %exp3A : vector<1x1xf32>
      %div3A = arith.constant 1.000000e+00 : f32
      %div3A_56 = vector.broadcast %div3A : f32 to vector<1x1xf32>
      %div3A_57 = arith.divf %div3A_56, %add3A_55 : vector<1x1xf32>
      %swap3A = arith.constant 0 : index
      %swap3A_58 = arith.constant 0 : index
      %swap3A_59 = vector.load %arg7[%swap3A, %swap3A_58] : memref<1x1xf32, #tpu.memory_space<vmem>>, vector<1x1xf32>
      tpu.vector_store %arg7[%swap3A, %swap3A_58], %div3A_57 {strides = array<i32>} : memref<1x1xf32, #tpu.memory_space<vmem>>, vector<1x1xf32>,
    } else {
    }
    return
  }
  func.func @transform_0(%arg0: i32) -> (i32, i32) {
    %c0_i32 = arith.constant 0 : i32
    %c0_i32_0 = arith.constant 0 : i32
    return %arg0, %c0_i32 : i32, i32
  }
  func.func @transform_1(%arg0: i32) -> (i32, i32, i32) {
    %c0_i32 = arith.constant 0 : i32
    %c0_i32_0 = arith.constant 0 : i32
    %c0_i32_1 = arith.constant 0 : i32
    return %c0_i32, %arg0, %c0_i32_0 : i32, i32, i32
  }
  func.func @transform_2(%arg0: i32) -> (i32, i32) {
    %c0_i32 = arith.constant 0 : i32
    %c0_i32_0 = arith.constant 0 : i32
    return %arg0, %c0_i32 : i32, i32
  }
  func.func @transform_3(%arg0: i32) -> (i32, i32) {
    %c0_i32 = arith.constant 0 : i32
    %c0_i32_0 = arith.constant 0 : i32
    %c0_i32_1 = arith.constant 0 : i32
    return %c0_i32, %c0_i32_0 : i32, i32
  }
  func.func @transform_4(%arg0: i32) -> (i32, i32) {
    %c0_i32 = arith.constant 0 : i32
    %c0_i32_0 = arith.constant 0 : i32
    %c0_i32_1 = arith.constant 0 : i32
    return %c0_i32, %c0_i32_0 : i32, i32
  }
  func.func @transform_5(%arg0: i32) -> (i32, i32) {
    %c0_i32 = arith.constant 0 : i32
    %c0_i32_0 = arith.constant 0 : i32
    %c0_i32_1 = arith.constant 0 : i32
    return %c0_i32, %c0_i32_0 : i32, i32
  }
  func.func @transform_6(%arg0: i32) -> (i32, i32) {
    %c0_i32 = arith.constant 0 : i32
    %c0_i32_0 = arith.constant 0 : i32
    %c0_i32_1 = arith.constant 0 : i32
    return %c0_i32, %c0_i32_0 : i32, i32
  }
}

</mosaic_0001>

<sc_bundles>
// kernel: kernel.11.cloned.1.call-start
scs
__scs_entry_jumppad:
0x0: {  	(pc) =	sbr.rel $0x88, $3  }
0x1: {  	(tag) =	ssettag $0x0;
	lr =	simm.s32 $0x1  }
0x2: {  	[smem:$0x3F99] =	sst lr;
	_ =	strace $0xD0000000  }
0x3: {  	_ = 	snop  }
0x4: {  	_ = 	snop  }
0x5: {  	_ = 	snop  }
0x6: {  	_ = 	snop  }
0x7: {  	_ = 	snop  }
__scs_overlays_trampoline_lowered:
0x8: {  	[smem:$0x3FA8] =	sst s0  }
0x9: {  	[smem:$0x3FA9] =	sst s1  }
0xa: {  	[smem:$0x3FAA] =	sst s2  }
0xb: {  	[smem:$0x3FAB] =	sst s3  }
0xc: {  	[smem:$0x3FAC] =	sst s4  }
0xd: {  	[smem:$0x3FAD] =	sst s5  }
0xe: {  	[smem:$0x3FAE] =	sst s6  }
0xf: {  	[smem:$0x3FAF] =	sst s7  }
0x10: {  	[smem:$0x3FB0] =	sst s8  }
0x11: {  	[smem:$0x3FB1] =	sst s9;
	s0 =	simm.s32 @!p0 $0x0  }
0x12: {  	s1 =	sld [smem:$0x3F97];
	s0 =	simm.s32 @p0 $0x1  }
0x13: {  	[smem:$0x3FB2] =	sst s0;
	s0 =	simm.s32 @!p1 $0x0  }
0x14: {  	s2 =	sld [smem:$0x3F96];
	s0 =	simm.s32 @p1 $0x1  }
0x15: {  	[smem:$0x3FB3] =	sst s0;
	s0 =	simm.s32 @!p2 $0x0  }
0x16: {  	s3 =	sld [smem:$0x3FDB];
	s0 =	simm.s32 @p2 $0x1  }
0x17: {  	s4 =	simm.s32 $0x1BF5;
	[smem:$0x3FB5] =	sst s0  }
0x18: {  	s0 =	sld [smem:$0x3F98];
	_ =	swait.ge [sflag:s4], $0x0  }
0x19: {  	s7 =	sld [smem:$0x3F99]  }
0x1a: {  	s8 =	sadd.s32 $0xFFFFE003, lr  }
0x1b: {  	s9 =	sadd.s32 $0xFFFFFEF7, lr;
	s5 =	simm.s32 $0xFFFFFFFF;
	p2 =	slt.u32 s8, $0xFFFFF086  }
0x1c: {  	p1 =	slt.u32 s9, $0xF7A;
	s5 =	simm.s32 @!p2 $0x0  }
0x1d: {  	s5 =	simm.s32 @p1 $0x1;
	p0 =	seq.s32 s7, s2  }
0x1e: {  	s7 =	smul.u32 @!p0 $0xF7A, s2;
	p2 =	seq.s32 @!p0 s5, $0x0  }
0x1f: {  	s9 =	smul.u32 $0xF7A, s1;
	s8 =	simm.s32 @!p0 $0x1BF5;
	p2 =	por !p2, p0  }
0x20: {  	[sflag:s8] =	ssyncset.s32 @!p0 $0xFFFFF086;
	s6 =	sadd.s32 @!p0 s3, s7;
	s7 =	simm.s32 @!p0 $0x108  }
0x21: {  	s3 =	sadd.s32 s3, s9;
	s6 =	sadd.s32 @!p0 $0x88, s6;
	s7 =	simm.s32 @p2 $0x1082  }
0x22: {  	[simem:s7], [sflag:s8] =	dma.local @!p0 [hbm:s6], $0xF7A  }
0x23: {  	s9 =	sor.u32 $0xD0000000, s2;
	s6 =	simm.s32 $0x108;
	_ =	swait.ge @!p0 [sflag:s8], $0x0  }
0x24: {  	s3 =	sadd.s32 $0x88, s3;
	s6 =	simm.s32 @!p1 $0x1082;
	[sflag:s4] =	ssyncset.s32 $0xFFFFF086  }
0x25: {  	[simem:s6], [sflag:s4] =	dma.local [hbm:s3], $0xF7A  }
0x26: {  	[smem:$0x3F99] =	sst s1;
	(tag) =	ssettag s2;
	_ =	strace s9  }
0x27: {  	s1 =	sld [smem:$0x3FA9]  }
0x28: {  	s2 =	sld [smem:$0x3FAA]  }
0x29: {  	s4 =	sld [smem:$0x3FAC]  }
0x2a: {  	p0 =	seq.s32 s5, $0x0;
	s5 =	sld [smem:$0x3FAD]  }
0x2b: {  	s6 =	sld [smem:$0x3FAE]  }
0x2c: {  	s7 =	sld [smem:$0x3FAF]  }
0x2d: {  	s3 =	simm.s32 $0x108;
	s8 =	sld [smem:$0x3FB0]  }
0x2e: {  	s3 =	simm.s32 @!p0 $0x1082;
	s9 =	sld [smem:$0x3FB1]  }
0x2f: {  	lr =	sadd.s32 s0, s3;
	s0 =	sld [smem:$0x3FA8]  }
0x30: {  	s3 =	sld [smem:$0x3FAB]  }
0x31: {  	[smem:$0x3FB4] =	sst s10  }
0x32: {  	s10 =	sld [smem:$0x3FB2];
	_ =	sdelay $0x3  }
0x33: {  	p0 =	seq.s32 s10, $0x1;
	s10 =	sld [smem:$0x3FB4];
	_ =	sdelay $0x3  }
0x34: {  	[smem:$0x3FB4] =	sst s10  }
0x35: {  	s10 =	sld [smem:$0x3FB3];
	_ =	sdelay $0x3  }
0x36: {  	p1 =	seq.s32 s10, $0x1;
	s10 =	sld [smem:$0x3FB4];
	_ =	sdelay $0x3  }
0x37: {  	[smem:$0x3FB4] =	sst s10  }
0x38: {  	s10 =	sld [smem:$0x3FB5]  }
0x39: {  	_ = 	snop;
	(pc) =	sbr.ind lr, $3  }
0x3a: {  	_ = 	snop  }
0x3b: {  	_ = 	snop  }
0x3c: {  	p2 =	seq.s32 s10, $0x1;
	s10 =	sld [smem:$0x3FB4]  }
0x3d: {  	_ =	shalt  }
0x3e: {  	_ =	shalt  }
0x3f: {  	_ =	shalt  }
0x40: {  	_ =	shalt  }
0x41: {  	_ =	shalt  }
0x42: {  	_ =	shalt  }
0x43: {  	_ =	shalt  }
0x44: {  	_ =	shalt  }
0x45: {  	_ =	shalt  }
0x46: {  	_ =	shalt  }
0x47: {  	_ =	shalt  }
0x48: {  	_ =	shalt  }
0x49: {  	_ =	shalt  }
0x4a: {  	_ =	shalt  }
0x4b: {  	_ =	shalt  }
0x4c: {  	_ =	shalt  }
0x4d: {  	_ =	shalt  }
0x4e: {  	_ =	shalt  }
0x4f: {  	_ =	shalt  }
0x50: {  	_ =	shalt  }
0x51: {  	_ =	shalt  }
0x52: {  	_ =	shalt  }
0x53: {  	_ =	shalt  }
0x54: {  	_ =	shalt  }
0x55: {  	_ =	shalt  }
0x56: {  	_ =	shalt  }
0x57: {  	_ =	shalt  }
0x58: {  	_ =	shalt  }
0x59: {  	_ =	shalt  }
0x5a: {  	_ =	shalt  }
0x5b: {  	_ =	shalt  }
0x5c: {  	_ =	shalt  }
0x5d: {  	_ =	shalt  }
0x5e: {  	_ =	shalt  }
0x5f: {  	_ =	shalt  }
0x60: {  	_ =	shalt  }
0x61: {  	_ =	shalt  }
0x62: {  	_ =	shalt  }
0x63: {  	_ =	shalt  }
0x64: {  	_ =	shalt  }
0x65: {  	_ =	shalt  }
0x66: {  	_ =	shalt  }
0x67: {  	_ =	shalt  }
0x68: {  	_ =	shalt  }
0x69: {  	_ =	shalt  }
0x6a: {  	_ =	shalt  }
0x6b: {  	_ =	shalt  }
0x6c: {  	_ =	shalt  }
0x6d: {  	_ =	shalt  }
0x6e: {  	_ =	shalt  }
0x6f: {  	_ =	shalt  }
0x70: {  	_ =	shalt  }
0x71: {  	_ =	shalt  }
0x72: {  	_ =	shalt  }
0x73: {  	_ =	shalt  }
0x74: {  	_ =	shalt  }
0x75: {  	_ =	shalt  }
0x76: {  	_ =	shalt  }
0x77: {  	_ =	shalt  }
0x78: {  	_ =	shalt  }
0x79: {  	_ =	shalt  }
0x7a: {  	_ =	shalt  }
0x7b: {  	_ =	shalt  }
0x7c: {  	_ =	shalt  }
0x7d: {  	_ =	shalt  }
0x7e: {  	_ =	shalt  }
0x7f: {  	_ =	shalt  }
0x80: {  	_ =	shalt  }
0x81: {  	_ =	shalt  }
0x82: {  	_ =	shalt  }
0x83: {  	_ =	shalt  }
0x84: {  	_ =	shalt  }
0x85: {  	_ =	shalt  }
0x86: {  	_ =	shalt  }
0x87: {  	_ =	shalt  }
.Lfunc_end0:
.L_simem_size_0:
called_computation.1_lowered:
.L_overlay_start_0:
0x88: {  	s2 =	sld [smem:$0x3FD9]  }
0x89: {  	s3 =	sld [smem:$0x3FFE];
	_ =	sdelay $0x1  }
0x8a: {  	s1 =	srdreg.scid  }
0x8b: {  	s0 =	sand.u32 $0x1, s1  }
0x8c: {  	s16 =	sshll.u32 s0, $0xA;
	s2 =	sadd.s32 s3, s2  }
0x8d: {  	s2 =	sadd.s32 s2, s16  }
0x8e: {  	[smem:$0x3FC0] =	sst s2  }
0x8f: {  	_ = 	snop  }
0x90: {  	(tm) =	ssettm $0x1  }
0x91: {  	s17 =	sld [smem:$0x3FFB];
	_ =	sdelay $0x3  }
0x92: {  	_ =	strace s17  }
0x93: {  	s2 =	sld [smem:$0x3FFC];
	_ =	sdelay $0x3  }
0x94: {  	_ =	strace s2  }
0x95: {  	s2 =	sld [smem:$0x3FFD];
	_ =	sdelay $0x3  }
0x96: {  	_ =	strace s2  }
0x97: {  	_ =	strace $0x8FFFFFFF  }
0x98: {  	s18 =	sld [smem:$0x3FDB];
	_ =	sdelay $0x1  }
0x99: {  	s19 =	simm.s32 $_scs_section_size  }
0x9a: {  	s4 =	simm.s32 $_size__tile_overlayer_lowered;
	s5 =	simm.s32 $_tile_overlayer_lowered  }
0x9b: {  	s22 =	simm.s32 $0x1BFF;
	s21 =	sshll.u32 s5, $0x1;
	s2 =	sadd.s32 s19, s18  }
0x9c: {  	s6 =	simm.s32 $0x0;
	s20 =	sshll.u32 s4, $0x1;
	s4 =	sadd.s32 s21, s2  }
0x9d: {  	[timem:s6], [sflag:s22] =	dma.local [hbm:s4], s20  }
0x9e: {  	_ =	swait.ge [sflag:s22], s20  }
0x9f: {  	s3 =	ssub.s32 $0x0, s20;
	[sflag:s22] =	ssyncset.done $0x0  }
0xa0: {  	[sflag:s22] =	ssyncadd.s32 s3;
	_ =	sdelay $0x1  }
0xa1: {  	s23 =	simm.s32 $0x1B8B  }
0xa2: {  	_ =	swait.ge [sflag:s23], $0x1  }
0xa3: {  	[sflag:s23] =	ssyncset.done $0x0  }
0xa4: {  	s25 =	simm.s32 $0x1B8E;
	s24 =	sld [smem:$0x3FFE];
	[sflag:s23] =	ssyncadd.s32 $0xFFFFFFFF  }
0xa5: {  	s26 =	simm.s32 $execute0_lowered;
	[smem:$0x3FD2] =	sst s25  }
0xa6: {  	s4 =	sshll.u32 s26, $0x1;
	_ =	strace $0x80000049;
	[dreg:$0x1] =	wrdreg $0xFFFFFFFF  }
0xa7: {  	s28 =	simm.s32 $_size_execute0_lowered;
	s2 =	sadd.s32 s2, s4;
	[dreg:$0x0] =	wrdreg $0x0  }
0xa8: {  	s4 =	sshll.u32 s28, $0x1;
	[dreg:$0x2] =	wrdreg s2  }
0xa9: {  	[dreg:$0x3] =	wrdreg s4  }
0xaa: {  	[dreg:$0x4] =	wrdreg $0xC0  }
0xab: {  	_ =	task [dreg:s6], $0x5FFFF  }
0xac: {  	[dreg:$0x1] =	wrdreg $0xFFFFFFFF  }
0xad: {  	[dreg:$0x0] =	wrdreg $0x60  }
0xae: {  	[dreg:$0x2] =	wrdreg s24  }
0xaf: {  	[dreg:$0x3] =	wrdreg $0x70000  }
0xb0: {  	[dreg:$0x4] =	wrdreg $0xBE200  }
0xb1: {  	[dreg:$0x5] =	wrdreg $0x9  }
0xb2: {  	_ =	task.clear_ibuf [dreg:s6], $0x6FFFF;
	_ =	strace $0x90000049  }
0xb3: {  	s29 =	simm.s32 $0x9;
	_ =	strace $0x8000004B  }
0xb4: {  	_ =	swait.ge [sflag:s29], $0x1  }
0xb5: {  	[sflag:s29] =	ssyncadd.s32 $0xFFFFFFFF  }
0xb6: {  	_ =	strace $0x9000004B  }
0xb7: {  	_ =	sfence  }
0xb8: {  	s30 =	sld [smem:$0x0];
	_ =	sdelay $0x2  }
0xb9: {  	s31 =	sshll.u32 s1, $0xD;
	s1 =	sshrl.u32 s1, $0x2  }
0xba: {  	s3 =	sand.u32 $0x4000, s31;
	s1 =	sadd.s32 s1, s30  }
0xbb: {  	s0 =	sor.u32 s3, s0;
	s1 =	sshll.u32 s1, $0x11  }
0xbc: {  	s0 =	sor.u32 s1, s0  }
0xbd: {  	s0 =	sadd.s32 $0x8F2B, s0  }
0xbe: {  	[sflag:s0] =	ssyncadd.remote.s32 $0x1  }
0xbf: {  	_ =	sfence.sel $0xFFFF  }
0xc0: {  	[dreg:$0x0] =	wrdreg $0xFFFFFFFF;
	(pc) =	sbr.abs _section_cstart, $3  }
0xc1: {  	[dreg:$0x1] =	wrdreg $0xFFFFFFFF  }
0xc2: {  	_ =	task.clear_ibuf [dreg:s6], $0x2FFFF;
	_ =	strace $0x9FFFFFFF  }
0xc3: {  	(tm) =	ssettm $0x7FFFFFFF  }
tec
execute0_lowered:
.L_overlay_start_1:
0x0: {  	(tag) =	ssettag $0x1  }
0x1: {  	s6 =	rddreg [dreg:$0x0]  }
0x2: {  	s0 =	srdreg.scid;
	s2 =	rddreg [dreg:$0x1]  }
0x3: {  	s3 =	rddreg [dreg:$0x2];
	s4 =	simm.s32 $0x0;
	s16 =	simm.s32 $0x100  }
0x4: {  	s17 =	simm.s32 $0x5000;
	s5 =	sand.u32 $0x1, s0;
	s0 =	stileid.u32  }
0x5: {  	s18 =	simm.s32 $0x1;
	s19 =	simm.s32 $0x0;
	s7 =	smul.u32 $0x9C40, s0  }
0x6: {  	[smem:$0x7FF] =	sst s4;
	s1 =	sshll.u32 s5, $0x4;
	s9 =	smul.u32 $0x9E00, s0  }
0x7: {  	s11 =	smul.u32 $0x9E000, s5;
	s26 =	ssub.s32 $0x2, s5;
	s5 =	sadd.s32 $0x1AA00, s6  }
0x8: {  	s30 =	sshll.u32 s0, $0x6;
	s1 =	sor.u32 s0, s1;
	s13 =	sshrl.u32 s26, $0x1  }
0x9: {  	s8 =	smul.u32 $0x4E2, s1;
	s1 =	rddreg [dreg:$0x3];
	s10 =	sshrl.u32 s7, $0x4  }
0xa: {  	_ =	strace $0x8000004A;
	s25 =	sadd.s32 s9, s11;
	s11 =	ssub.s32 s26, s13  }
0xb: {  	s28 =	sshrl.u32 s7, $0x1;
	s31 =	sshrl.u32 s9, $0x1;
	s7 =	sor.u32 $0x1C02, s30  }
0xc: {  	s13 =	simm.s32 $0x2;
	s10 =	sadd.s32 s10, s6;
	s29 =	sadd.s32 s28, s2  }
0xd: {  	s15 =	sadd.s32 s31, s3;
	s12 =	sadd.s32 s8, s6;
	s8 =	sshrl.u32 s25, $0x4  }
0xe: {  	s11 =	smax.u32 s11, $0x1;
	s14 =	sadd.s32 s8, s6;
	s6 =	sadd.s32 $0x1B400, s10  }
0xf: {  	s8 =	sadd.s32 $0x1800, s12;
	s9 =	sadd.s32 $0xB600, s12;
	s12 =	sshrl.u32 s29, $0x3  }
0x10: {  	v0 =	vimm.s32 $0x0;
	v1 =	vimm.s32 $0x2710;
	s10 =	sadd.s32 $0x25200, s14;
	s14 =	sshrl.u32 s15, $0x3;
	s15 =	simm.s32 $0x2800  }
.LBB2_1:
0x11: {  	[spmem:s12], [sflag:s7] =	dma.local [hbm:s6], $0x9C4  }
0x12: {  	_ =	swait.ge [sflag:s13], $0x9C4  }
0x13: {  	[sflag:s13] =	ssyncset.done $0x0  }
0x14: {  	[sflag:s13] =	ssyncadd.s32 $0xFFFFF63C  }
0x15: {  	[spmem:s14], [sflag:s7] =	dma.local [hbm:s5], $0x9E0  }
0x16: {  	_ =	swait.ge [sflag:s13], $0x9E0  }
0x17: {  	[sflag:s13] =	ssyncset.done $0x0  }
0x18: {  	[sflag:s13] =	ssyncadd.s32 $0xFFFFF620  }
0x19: {  	[tilespmem:s4], [sflag:$0x2] =	stream.linear.gather [hbm4b:s8+s4], $0x2710, $0x38;
	[tilespmem:$0x10D20] =	vst v63  }
0x1a: {  	_ =	swait.ge [sflag:s13], $0x2710  }
0x1b: {  	[sflag:s13] =	ssyncset.done $0x0  }
0x1c: {  	[sflag:s13] =	ssyncadd.s32 $0xFFFFD8F0  }
0x1d: {  	[tilespmem:s15], [sflag:$0x2] =	stream.linear.gather [hbm4b:s9+s4], $0x2710, $0x38;
	[tilespmem:$0x10D20] =	vst v63  }
0x1e: {  	_ =	swait.ge [sflag:s13], $0x2710  }
0x1f: {  	[sflag:s13] =	ssyncset.done $0x0  }
0x20: {  	[sflag:s13] =	ssyncadd.s32 $0xFFFFD8F0  }
0x21: {  	[tilespmem:$0x2710] =	vst v0  }
0x22: {  	[tilespmem:$0x4F10] =	vst v1  }
0x23: {  	[tilespmem:$0x2720] =	vst v0  }
0x24: {  	[tilespmem:$0x4F20] =	vst v1  }
0x25: {  	[tilespmem:$0x2730] =	vst v0  }
0x26: {  	[tilespmem:$0x4F30] =	vst v1  }
0x27: {  	[tilespmem:$0x2740] =	vst v0  }
0x28: {  	[tilespmem:$0x4F40] =	vst v1  }
0x29: {  	[tilespmem:$0x2750] =	vst v0  }
0x2a: {  	[tilespmem:$0x4F50] =	vst v1  }
0x2b: {  	[tilespmem:$0x2760] =	vst v0  }
0x2c: {  	[tilespmem:$0x4F60] =	vst v1  }
0x2d: {  	[tilespmem:$0x2770] =	vst v0  }
0x2e: {  	[tilespmem:$0x4F70] =	vst v1  }
0x2f: {  	[tilespmem:$0x2780] =	vst v0  }
0x30: {  	[tilespmem:$0x4F80] =	vst v1  }
0x31: {  	[tilespmem:$0x2790] =	vst v0  }
0x32: {  	[tilespmem:$0x4F90] =	vst v1  }
0x33: {  	[tilespmem:$0x27A0] =	vst v0  }
0x34: {  	[tilespmem:$0x4FA0] =	vst v1  }
0x35: {  	[tilespmem:$0x27B0] =	vst v0  }
0x36: {  	[tilespmem:$0x4FB0] =	vst v1  }
0x37: {  	[tilespmem:$0x27C0] =	vst v0  }
0x38: {  	[tilespmem:$0x4FC0] =	vst v1  }
0x39: {  	[tilespmem:$0x27D0] =	vst v0  }
0x3a: {  	[tilespmem:$0x4FD0] =	vst v1  }
0x3b: {  	[tilespmem:$0x27E0] =	vst v0  }
0x3c: {  	[tilespmem:$0x4FE0] =	vst v1  }
0x3d: {  	[tilespmem:$0x27F0] =	vst v0  }
0x3e: {  	[tilespmem:$0x4FF0] =	vst v1  }
0x3f: {  	s20 =	simm.s32 $0x0;
	[bflag:$0x0] =	sbarrier.arrive $0xFFFF  }
0x40: {  	[tilespmem:s17], [sflag:$0x1] =	stream.indirect.gather [spmem:s2], $0x20, s20, s16, $0xb8;
	[tilespmem:$0x10D20] =	vst v63  }
0x41: {  	_ =	swait.ge [sflag:s18], $0x2000  }
0x42: {  	[sflag:s18] =	ssyncset.done $0x0  }
0x43: {  	s31 =	simm.s32 $0x2800;
	[sflag:s18] =	ssyncadd.s32 $0xFFFFE000  }
0x44: {  	[spmem:s3] =	stream.indirect.scatter.add.bf16 [tilespmem:s17], [sflag:$0x2], $0x20, s31, s16, $0xb8;
	[tilespmem:$0x10D20] =	vst v63  }
0x45: {  	_ =	swait.ge [sflag:s13], $0x2000  }
0x46: {  	s21 =	simm.s32 $0x800;
	s20 =	simm.s32 $0x400;
	[sflag:s13] =	ssyncset.done $0x0  }
.LBB2_2:
0x47: {  	s22 =	sshra.s32 s20, $0x2  }
0x48: {  	[sflag:s13] =	ssyncadd.s32 $0xFFFFE000;
	s20 =	smov.u32 s21;
	s23 =	sadd.s32 $0x400, s21  }
0x49: {  	[tilespmem:s17], [sflag:$0x1] =	stream.indirect.gather [spmem:s2], $0x20, s22, s16, $0xb8;
	[tilespmem:$0x10D20] =	vst v63  }
0x4a: {  	p0 =	sne.s32 s21, $0x9C00;
	_ =	swait.ge [sflag:s18], $0x2000  }
.Ltmp0:
0x4b: {  	[sflag:s18] =	ssyncset.done $0x0;
	(pc) =	sbr.rel @p0 .LBB2_2-.Ltmp0, $4  }
0x4c: {  	s21 =	sadd.s32 $0x2800, s22;
	[sflag:s18] =	ssyncadd.s32 $0xFFFFE000  }
0x4d: {  	[spmem:s3] =	stream.indirect.scatter.add.bf16 [tilespmem:s17], [sflag:$0x2], $0x20, s21, s16, $0xb8;
	[tilespmem:$0x10D20] =	vst v63  }
0x4e: {  	_ =	swait.ge [sflag:s13], $0x2000  }
0x4f: {  	s21 =	smov.u32 s23;
	[sflag:s13] =	ssyncset.done $0x0  }
0x50: {  	s20 =	sshra.s32 s20, $0x2;
	[sflag:s13] =	ssyncadd.s32 $0xFFFFE000  }
0x51: {  	[tilespmem:s17], [sflag:$0x1] =	stream.indirect.gather [spmem:s2], $0x20, s20, s16, $0xb8;
	[tilespmem:$0x10D20] =	vst v63  }
0x52: {  	_ =	swait.ge [sflag:s18], $0x2000  }
0x53: {  	[sflag:s18] =	ssyncset.done $0x0  }
0x54: {  	s20 =	sadd.s32 $0x2800, s20;
	[sflag:s18] =	ssyncadd.s32 $0xFFFFE000  }
0x55: {  	[spmem:s3] =	stream.indirect.scatter.add.bf16 [tilespmem:s17], [sflag:$0x2], $0x20, s20, s16, $0xb8;
	[tilespmem:$0x10D20] =	vst v63  }
0x56: {  	_ =	swait.ge [sflag:s13], $0x2000  }
0x57: {  	s19 =	sadd.s32 $0x1, s19;
	[sflag:s13] =	ssyncset.done $0x0  }
0x58: {  	p0 =	sne.s32 s19, s11;
	[sflag:s13] =	ssyncadd.s32 $0xFFFFE000  }
.Ltmp1:
0x59: {  	[bflag:$0x0] =	sbarrier.arrive $0xFFFF;
	(pc) =	sbr.rel @p0 .LBB2_1-.Ltmp1, $4  }
0x5a: {  	[hbm:s10], [sflag:s7] =	dma.local [spmem:s14], $0x9E0  }
0x5b: {  	_ =	swait.ge [sflag:s13], $0x9E0  }
0x5c: {  	[sflag:s13] =	ssyncset.done $0x0  }
0x5d: {  	[sflag:s13] =	ssyncadd.s32 $0xFFFFF620  }
0x5e: {  	_ =	sfence.sel $0x180000  }
0x5f: {  	[bflag:$0x0] =	sbarrier.arrive $0xFFFF  }
0x60: {  	p0 =	sne.s32 s0, $0x0;
	_ =	strace $0x9000004A  }
0x61: {  	s0 =	sadd.s32 @!p0 $0x100000, s1;
	[bflag:$0x2] =	sbarrier.arrive $0xFFFF  }
0x62: {  	[sflag:s0] =	ssyncadd.tile.s32 @!p0 $0x1;
	_ =	shalt  }
.Lfunc_end2:
_tile_overlayer_lowered:
.L_overlay_start_2:
0x63: {  	(tag) =	ssettag $0x2  }
0x64: {  	s0 =	rddreg [dreg:$0x0];
	s2 =	stileid.u32  }
0x65: {  	s1 =	rddreg [dreg:$0x1];
	p0 =	sne.s32 s2, $0x0  }
0x66: {  	s3 =	rddreg [dreg:$0x2];
	[bflag:$0x3] =	sbarrier.arrive $0xFFFF;
	s2 =	simm.s32 @!p0 $0x1C02  }
0x67: {  	[timem:s3], [sflag:s2] =	dma.local @!p0 [hbm:s0], s1  }
0x68: {  	s0 =	simm.s32 @!p0 $0x2  }
0x69: {  	_ =	swait.ge @!p0 [sflag:s0], s1  }
0x6a: {  	s1 =	ssub.s32 @!p0 $0x0, s1;
	[sflag:s0] =	ssyncset.done @!p0 $0x0  }
0x6b: {  	[sflag:s0] =	ssyncadd.s32 @!p0 s1  }
0x6c: {  	[bflag:$0x3] =	sbarrier.arrive $0xFFFF  }
0x6d: {  	_ =	shalt  }

// kernel: kernel.14.cloned.1.call-start
scs
__scs_entry_jumppad:
0x0: {  	(pc) =	sbr.rel $0x88, $3  }
0x1: {  	(tag) =	ssettag $0x0;
	lr =	simm.s32 $0x1  }
0x2: {  	[smem:$0x3F99] =	sst lr;
	_ =	strace $0xD0000000  }
0x3: {  	_ = 	snop  }
0x4: {  	_ = 	snop  }
0x5: {  	_ = 	snop  }
0x6: {  	_ = 	snop  }
0x7: {  	_ = 	snop  }
__scs_overlays_trampoline_lowered:
0x8: {  	[smem:$0x3FA8] =	sst s0  }
0x9: {  	[smem:$0x3FA9] =	sst s1  }
0xa: {  	[smem:$0x3FAA] =	sst s2  }
0xb: {  	[smem:$0x3FAB] =	sst s3  }
0xc: {  	[smem:$0x3FAC] =	sst s4  }
0xd: {  	[smem:$0x3FAD] =	sst s5  }
0xe: {  	[smem:$0x3FAE] =	sst s6  }
0xf: {  	[smem:$0x3FAF] =	sst s7  }
0x10: {  	[smem:$0x3FB0] =	sst s8  }
0x11: {  	[smem:$0x3FB1] =	sst s9;
	s0 =	simm.s32 @!p0 $0x0  }
0x12: {  	s1 =	sld [smem:$0x3F97];
	s0 =	simm.s32 @p0 $0x1  }
0x13: {  	[smem:$0x3FB2] =	sst s0;
	s0 =	simm.s32 @!p1 $0x0  }
0x14: {  	s2 =	sld [smem:$0x3F96];
	s0 =	simm.s32 @p1 $0x1  }
0x15: {  	[smem:$0x3FB3] =	sst s0;
	s0 =	simm.s32 @!p2 $0x0  }
0x16: {  	s3 =	sld [smem:$0x3FDB];
	s0 =	simm.s32 @p2 $0x1  }
0x17: {  	s4 =	simm.s32 $0x1BF5;
	[smem:$0x3FB5] =	sst s0  }
0x18: {  	s0 =	sld [smem:$0x3F98];
	_ =	swait.ge [sflag:s4], $0x0  }
0x19: {  	s7 =	sld [smem:$0x3F99]  }
0x1a: {  	s8 =	sadd.s32 $0xFFFFE003, lr  }
0x1b: {  	s9 =	sadd.s32 $0xFFFFFEF7, lr;
	s5 =	simm.s32 $0xFFFFFFFF;
	p2 =	slt.u32 s8, $0xFFFFF086  }
0x1c: {  	p1 =	slt.u32 s9, $0xF7A;
	s5 =	simm.s32 @!p2 $0x0  }
0x1d: {  	s5 =	simm.s32 @p1 $0x1;
	p0 =	seq.s32 s7, s2  }
0x1e: {  	s7 =	smul.u32 @!p0 $0xF7A, s2;
	p2 =	seq.s32 @!p0 s5, $0x0  }
0x1f: {  	s9 =	smul.u32 $0xF7A, s1;
	s8 =	simm.s32 @!p0 $0x1BF5;
	p2 =	por !p2, p0  }
0x20: {  	[sflag:s8] =	ssyncset.s32 @!p0 $0xFFFFF086;
	s6 =	sadd.s32 @!p0 s3, s7;
	s7 =	simm.s32 @!p0 $0x108  }
0x21: {  	s3 =	sadd.s32 s3, s9;
	s6 =	sadd.s32 @!p0 $0x88, s6;
	s7 =	simm.s32 @p2 $0x1082  }
0x22: {  	[simem:s7], [sflag:s8] =	dma.local @!p0 [hbm:s6], $0xF7A  }
0x23: {  	s9 =	sor.u32 $0xD0000000, s2;
	s6 =	simm.s32 $0x108;
	_ =	swait.ge @!p0 [sflag:s8], $0x0  }
0x24: {  	s3 =	sadd.s32 $0x88, s3;
	s6 =	simm.s32 @!p1 $0x1082;
	[sflag:s4] =	ssyncset.s32 $0xFFFFF086  }
0x25: {  	[simem:s6], [sflag:s4] =	dma.local [hbm:s3], $0xF7A  }
0x26: {  	[smem:$0x3F99] =	sst s1;
	(tag) =	ssettag s2;
	_ =	strace s9  }
0x27: {  	s1 =	sld [smem:$0x3FA9]  }
0x28: {  	s2 =	sld [smem:$0x3FAA]  }
0x29: {  	s4 =	sld [smem:$0x3FAC]  }
0x2a: {  	p0 =	seq.s32 s5, $0x0;
	s5 =	sld [smem:$0x3FAD]  }
0x2b: {  	s6 =	sld [smem:$0x3FAE]  }
0x2c: {  	s7 =	sld [smem:$0x3FAF]  }
0x2d: {  	s3 =	simm.s32 $0x108;
	s8 =	sld [smem:$0x3FB0]  }
0x2e: {  	s3 =	simm.s32 @!p0 $0x1082;
	s9 =	sld [smem:$0x3FB1]  }
0x2f: {  	lr =	sadd.s32 s0, s3;
	s0 =	sld [smem:$0x3FA8]  }
0x30: {  	s3 =	sld [smem:$0x3FAB]  }
0x31: {  	[smem:$0x3FB4] =	sst s10  }
0x32: {  	s10 =	sld [smem:$0x3FB2];
	_ =	sdelay $0x3  }
0x33: {  	p0 =	seq.s32 s10, $0x1;
	s10 =	sld [smem:$0x3FB4];
	_ =	sdelay $0x3  }
0x34: {  	[smem:$0x3FB4] =	sst s10  }
0x35: {  	s10 =	sld [smem:$0x3FB3];
	_ =	sdelay $0x3  }
0x36: {  	p1 =	seq.s32 s10, $0x1;
	s10 =	sld [smem:$0x3FB4];
	_ =	sdelay $0x3  }
0x37: {  	[smem:$0x3FB4] =	sst s10  }
0x38: {  	s10 =	sld [smem:$0x3FB5]  }
0x39: {  	_ = 	snop;
	(pc) =	sbr.ind lr, $3  }
0x3a: {  	_ = 	snop  }
0x3b: {  	_ = 	snop  }
0x3c: {  	p2 =	seq.s32 s10, $0x1;
	s10 =	sld [smem:$0x3FB4]  }
0x3d: {  	_ =	shalt  }
0x3e: {  	_ =	shalt  }
0x3f: {  	_ =	shalt  }
0x40: {  	_ =	shalt  }
0x41: {  	_ =	shalt  }
0x42: {  	_ =	shalt  }
0x43: {  	_ =	shalt  }
0x44: {  	_ =	shalt  }
0x45: {  	_ =	shalt  }
0x46: {  	_ =	shalt  }
0x47: {  	_ =	shalt  }
0x48: {  	_ =	shalt  }
0x49: {  	_ =	shalt  }
0x4a: {  	_ =	shalt  }
0x4b: {  	_ =	shalt  }
0x4c: {  	_ =	shalt  }
0x4d: {  	_ =	shalt  }
0x4e: {  	_ =	shalt  }
0x4f: {  	_ =	shalt  }
0x50: {  	_ =	shalt  }
0x51: {  	_ =	shalt  }
0x52: {  	_ =	shalt  }
0x53: {  	_ =	shalt  }
0x54: {  	_ =	shalt  }
0x55: {  	_ =	shalt  }
0x56: {  	_ =	shalt  }
0x57: {  	_ =	shalt  }
0x58: {  	_ =	shalt  }
0x59: {  	_ =	shalt  }
0x5a: {  	_ =	shalt  }
0x5b: {  	_ =	shalt  }
0x5c: {  	_ =	shalt  }
0x5d: {  	_ =	shalt  }
0x5e: {  	_ =	shalt  }
0x5f: {  	_ =	shalt  }
0x60: {  	_ =	shalt  }
0x61: {  	_ =	shalt  }
0x62: {  	_ =	shalt  }
0x63: {  	_ =	shalt  }
0x64: {  	_ =	shalt  }
0x65: {  	_ =	shalt  }
0x66: {  	_ =	shalt  }
0x67: {  	_ =	shalt  }
0x68: {  	_ =	shalt  }
0x69: {  	_ =	shalt  }
0x6a: {  	_ =	shalt  }
0x6b: {  	_ =	shalt  }
0x6c: {  	_ =	shalt  }
0x6d: {  	_ =	shalt  }
0x6e: {  	_ =	shalt  }
0x6f: {  	_ =	shalt  }
0x70: {  	_ =	shalt  }
0x71: {  	_ =	shalt  }
0x72: {  	_ =	shalt  }
0x73: {  	_ =	shalt  }
0x74: {  	_ =	shalt  }
0x75: {  	_ =	shalt  }
0x76: {  	_ =	shalt  }
0x77: {  	_ =	shalt  }
0x78: {  	_ =	shalt  }
0x79: {  	_ =	shalt  }
0x7a: {  	_ =	shalt  }
0x7b: {  	_ =	shalt  }
0x7c: {  	_ =	shalt  }
0x7d: {  	_ =	shalt  }
0x7e: {  	_ =	shalt  }
0x7f: {  	_ =	shalt  }
0x80: {  	_ =	shalt  }
0x81: {  	_ =	shalt  }
0x82: {  	_ =	shalt  }
0x83: {  	_ =	shalt  }
0x84: {  	_ =	shalt  }
0x85: {  	_ =	shalt  }
0x86: {  	_ =	shalt  }
0x87: {  	_ =	shalt  }
.Lfunc_end0:
.L_simem_size_0:
called_computation.2_lowered:
.L_overlay_start_0:
0x88: {  	s2 =	sld [smem:$0x3FD9]  }
0x89: {  	s3 =	sld [smem:$0x3FFE];
	_ =	sdelay $0x1  }
0x8a: {  	s1 =	srdreg.scid  }
0x8b: {  	s0 =	sand.u32 $0x1, s1  }
0x8c: {  	s16 =	sshll.u32 s0, $0xA;
	s2 =	sadd.s32 s3, s2  }
0x8d: {  	s2 =	sadd.s32 s2, s16  }
0x8e: {  	[smem:$0x3FC0] =	sst s2  }
0x8f: {  	_ = 	snop  }
0x90: {  	(tm) =	ssettm $0x1  }
0x91: {  	s17 =	sld [smem:$0x3FFB];
	_ =	sdelay $0x3  }
0x92: {  	_ =	strace s17  }
0x93: {  	s2 =	sld [smem:$0x3FFC];
	_ =	sdelay $0x3  }
0x94: {  	_ =	strace s2  }
0x95: {  	s2 =	sld [smem:$0x3FFD];
	_ =	sdelay $0x3  }
0x96: {  	_ =	strace s2  }
0x97: {  	_ =	strace $0x8FFFFFFF  }
0x98: {  	s18 =	sld [smem:$0x3FDB];
	_ =	sdelay $0x1  }
0x99: {  	s19 =	simm.s32 $_scs_section_size  }
0x9a: {  	s4 =	simm.s32 $_size__tile_overlayer_lowered;
	s5 =	simm.s32 $_tile_overlayer_lowered  }
0x9b: {  	s22 =	simm.s32 $0x1BFF;
	s21 =	sshll.u32 s5, $0x1;
	s2 =	sadd.s32 s19, s18  }
0x9c: {  	s6 =	simm.s32 $0x0;
	s20 =	sshll.u32 s4, $0x1;
	s4 =	sadd.s32 s21, s2  }
0x9d: {  	[timem:s6], [sflag:s22] =	dma.local [hbm:s4], s20  }
0x9e: {  	_ =	swait.ge [sflag:s22], s20  }
0x9f: {  	s3 =	ssub.s32 $0x0, s20;
	[sflag:s22] =	ssyncset.done $0x0  }
0xa0: {  	[sflag:s22] =	ssyncadd.s32 s3;
	_ =	sdelay $0x1  }
0xa1: {  	s23 =	simm.s32 $0x1B8B  }
0xa2: {  	_ =	swait.ge [sflag:s23], $0x1  }
0xa3: {  	[sflag:s23] =	ssyncset.done $0x0  }
0xa4: {  	s25 =	simm.s32 $0x1B8E;
	s24 =	sld [smem:$0x3FFE];
	[sflag:s23] =	ssyncadd.s32 $0xFFFFFFFF  }
0xa5: {  	s26 =	simm.s32 $execute0_lowered;
	[smem:$0x3FD2] =	sst s25  }
0xa6: {  	s4 =	sshll.u32 s26, $0x1;
	_ =	strace $0x8000004C;
	[dreg:$0x1] =	wrdreg $0xFFFFFFFF  }
0xa7: {  	s28 =	simm.s32 $_size_execute0_lowered;
	s2 =	sadd.s32 s2, s4;
	[dreg:$0x0] =	wrdreg $0x0  }
0xa8: {  	s4 =	sshll.u32 s28, $0x1;
	[dreg:$0x2] =	wrdreg s2  }
0xa9: {  	[dreg:$0x3] =	wrdreg s4  }
0xaa: {  	[dreg:$0x4] =	wrdreg $0xC0  }
0xab: {  	_ =	task [dreg:s6], $0x5FFFF  }
0xac: {  	[dreg:$0x1] =	wrdreg $0xFFFFFFFF  }
0xad: {  	[dreg:$0x0] =	wrdreg $0x60  }
0xae: {  	[dreg:$0x2] =	wrdreg s24  }
0xaf: {  	[dreg:$0x3] =	wrdreg $0x60000  }
0xb0: {  	[dreg:$0x4] =	wrdreg $0x87100  }
0xb1: {  	[dreg:$0x5] =	wrdreg $0x9  }
0xb2: {  	_ =	task.clear_ibuf [dreg:s6], $0x6FFFF;
	_ =	strace $0x9000004C  }
0xb3: {  	s29 =	simm.s32 $0x9;
	_ =	strace $0x8000004E  }
0xb4: {  	_ =	swait.ge [sflag:s29], $0x1  }
0xb5: {  	[sflag:s29] =	ssyncadd.s32 $0xFFFFFFFF  }
0xb6: {  	_ =	strace $0x9000004E  }
0xb7: {  	_ =	sfence  }
0xb8: {  	s30 =	sld [smem:$0x0];
	_ =	sdelay $0x2  }
0xb9: {  	s31 =	sshll.u32 s1, $0xD;
	s1 =	sshrl.u32 s1, $0x2  }
0xba: {  	s3 =	sand.u32 $0x4000, s31;
	s1 =	sadd.s32 s1, s30  }
0xbb: {  	s0 =	sor.u32 s3, s0;
	s1 =	sshll.u32 s1, $0x11  }
0xbc: {  	s0 =	sor.u32 s1, s0  }
0xbd: {  	s0 =	sadd.s32 $0x8F2B, s0  }
0xbe: {  	[sflag:s0] =	ssyncadd.remote.s32 $0x1  }
0xbf: {  	_ =	sfence.sel $0xFFFF  }
0xc0: {  	[dreg:$0x0] =	wrdreg $0xFFFFFFFF;
	(pc) =	sbr.abs _section_cstart, $3  }
0xc1: {  	[dreg:$0x1] =	wrdreg $0xFFFFFFFF  }
0xc2: {  	_ =	task.clear_ibuf [dreg:s6], $0x2FFFF;
	_ =	strace $0x9FFFFFFF  }
0xc3: {  	(tm) =	ssettm $0x7FFFFFFF  }
tec
execute0_lowered:
.L_overlay_start_1:
0x0: {  	(tag) =	ssettag $0x1  }
0x1: {  	s6 =	rddreg [dreg:$0x0]  }
0x2: {  	s0 =	srdreg.scid;
	s2 =	rddreg [dreg:$0x1]  }
0x3: {  	s3 =	rddreg [dreg:$0x2];
	s4 =	simm.s32 $0x0;
	s16 =	simm.s32 $0x100  }
0x4: {  	s17 =	simm.s32 $0x5000;
	s5 =	sand.u32 $0x1, s0;
	s0 =	stileid.u32  }
0x5: {  	s18 =	simm.s32 $0x1;
	s19 =	simm.s32 $0x0;
	s7 =	smul.u32 $0x4E20, s0  }
0x6: {  	[smem:$0x7FF] =	sst s4;
	s1 =	sshll.u32 s5, $0x4;
	s9 =	smul.u32 $0x4F00, s0  }
0x7: {  	s11 =	smul.u32 $0x4F000, s5;
	s26 =	ssub.s32 $0x2, s5;
	s5 =	sadd.s32 $0x15400, s6  }
0x8: {  	s30 =	sshll.u32 s0, $0x6;
	s1 =	sor.u32 s0, s1;
	s13 =	sshrl.u32 s26, $0x1  }
0x9: {  	s8 =	smul.u32 $0x4E2, s1;
	s1 =	rddreg [dreg:$0x3];
	s10 =	sshrl.u32 s7, $0x4  }
0xa: {  	_ =	strace $0x8000004D;
	s25 =	sadd.s32 s9, s11;
	s11 =	ssub.s32 s26, s13  }
0xb: {  	s28 =	sshrl.u32 s7, $0x1;
	s31 =	sshrl.u32 s9, $0x1;
	s7 =	sor.u32 $0x1C02, s30  }
0xc: {  	s13 =	simm.s32 $0x2;
	s10 =	sadd.s32 s10, s6;
	s29 =	sadd.s32 s28, s2  }
0xd: {  	s15 =	sadd.s32 s31, s3;
	s12 =	sadd.s32 s8, s6;
	s8 =	sshrl.u32 s25, $0x4  }
0xe: {  	s11 =	smax.u32 s11, $0x1;
	s14 =	sadd.s32 s8, s6;
	s6 =	sadd.s32 $0x15A00, s10  }
0xf: {  	s8 =	sadd.s32 $0x1800, s12;
	s9 =	sadd.s32 $0xB600, s12;
	s12 =	sshrl.u32 s29, $0x3  }
0x10: {  	v0 =	vimm.s32 $0x0;
	v1 =	vimm.s32 $0x2710;
	s10 =	sadd.s32 $0x1AA00, s14;
	s14 =	sshrl.u32 s15, $0x3;
	s15 =	simm.s32 $0x2800  }
.LBB2_1:
0x11: {  	[spmem:s12], [sflag:s7] =	dma.local [hbm:s6], $0x4E2  }
0x12: {  	_ =	swait.ge [sflag:s13], $0x4E2  }
0x13: {  	[sflag:s13] =	ssyncset.done $0x0  }
0x14: {  	[sflag:s13] =	ssyncadd.s32 $0xFFFFFB1E  }
0x15: {  	[spmem:s14], [sflag:s7] =	dma.local [hbm:s5], $0x4F0  }
0x16: {  	_ =	swait.ge [sflag:s13], $0x4F0  }
0x17: {  	[sflag:s13] =	ssyncset.done $0x0  }
0x18: {  	[sflag:s13] =	ssyncadd.s32 $0xFFFFFB10  }
0x19: {  	[tilespmem:s4], [sflag:$0x2] =	stream.linear.gather [hbm4b:s8+s4], $0x2710, $0x38;
	[tilespmem:$0xAE90] =	vst v63  }
0x1a: {  	_ =	swait.ge [sflag:s13], $0x2710  }
0x1b: {  	[sflag:s13] =	ssyncset.done $0x0  }
0x1c: {  	[sflag:s13] =	ssyncadd.s32 $0xFFFFD8F0  }
0x1d: {  	[tilespmem:s15], [sflag:$0x2] =	stream.linear.gather [hbm4b:s9+s4], $0x2710, $0x38;
	[tilespmem:$0xAE90] =	vst v63  }
0x1e: {  	_ =	swait.ge [sflag:s13], $0x2710  }
0x1f: {  	[sflag:s13] =	ssyncset.done $0x0  }
0x20: {  	[sflag:s13] =	ssyncadd.s32 $0xFFFFD8F0  }
0x21: {  	[tilespmem:$0x2710] =	vst v0  }
0x22: {  	[tilespmem:$0x4F10] =	vst v1  }
0x23: {  	[tilespmem:$0x2720] =	vst v0  }
0x24: {  	[tilespmem:$0x4F20] =	vst v1  }
0x25: {  	[tilespmem:$0x2730] =	vst v0  }
0x26: {  	[tilespmem:$0x4F30] =	vst v1  }
0x27: {  	[tilespmem:$0x2740] =	vst v0  }
0x28: {  	[tilespmem:$0x4F40] =	vst v1  }
0x29: {  	[tilespmem:$0x2750] =	vst v0  }
0x2a: {  	[tilespmem:$0x4F50] =	vst v1  }
0x2b: {  	[tilespmem:$0x2760] =	vst v0  }
0x2c: {  	[tilespmem:$0x4F60] =	vst v1  }
0x2d: {  	[tilespmem:$0x2770] =	vst v0  }
0x2e: {  	[tilespmem:$0x4F70] =	vst v1  }
0x2f: {  	[tilespmem:$0x2780] =	vst v0  }
0x30: {  	[tilespmem:$0x4F80] =	vst v1  }
0x31: {  	[tilespmem:$0x2790] =	vst v0  }
0x32: {  	[tilespmem:$0x4F90] =	vst v1  }
0x33: {  	[tilespmem:$0x27A0] =	vst v0  }
0x34: {  	[tilespmem:$0x4FA0] =	vst v1  }
0x35: {  	[tilespmem:$0x27B0] =	vst v0  }
0x36: {  	[tilespmem:$0x4FB0] =	vst v1  }
0x37: {  	[tilespmem:$0x27C0] =	vst v0  }
0x38: {  	[tilespmem:$0x4FC0] =	vst v1  }
0x39: {  	[tilespmem:$0x27D0] =	vst v0  }
0x3a: {  	[tilespmem:$0x4FD0] =	vst v1  }
0x3b: {  	[tilespmem:$0x27E0] =	vst v0  }
0x3c: {  	[tilespmem:$0x4FE0] =	vst v1  }
0x3d: {  	[tilespmem:$0x27F0] =	vst v0  }
0x3e: {  	[tilespmem:$0x4FF0] =	vst v1  }
0x3f: {  	s20 =	simm.s32 $0x0;
	[bflag:$0x0] =	sbarrier.arrive $0xFFFF  }
0x40: {  	[tilespmem:s17], [sflag:$0x1] =	stream.indirect.gather [spmem:s2], $0x10, s20, s16, $0xb8;
	[tilespmem:$0xAE90] =	vst v63  }
0x41: {  	_ =	swait.ge [sflag:s18], $0x1000  }
0x42: {  	[sflag:s18] =	ssyncset.done $0x0  }
0x43: {  	s31 =	simm.s32 $0x2800;
	[sflag:s18] =	ssyncadd.s32 $0xFFFFF000  }
0x44: {  	[spmem:s3] =	stream.indirect.scatter.add.bf16 [tilespmem:s17], [sflag:$0x2], $0x10, s31, s16, $0xb8;
	[tilespmem:$0xAE90] =	vst v63  }
0x45: {  	_ =	swait.ge [sflag:s13], $0x1000  }
0x46: {  	s21 =	simm.s32 $0x800;
	s20 =	simm.s32 $0x400;
	[sflag:s13] =	ssyncset.done $0x0  }
.LBB2_2:
0x47: {  	s22 =	sshra.s32 s20, $0x2  }
0x48: {  	[sflag:s13] =	ssyncadd.s32 $0xFFFFF000;
	s20 =	smov.u32 s21;
	s23 =	sadd.s32 $0x400, s21  }
0x49: {  	[tilespmem:s17], [sflag:$0x1] =	stream.indirect.gather [spmem:s2], $0x10, s22, s16, $0xb8;
	[tilespmem:$0xAE90] =	vst v63  }
0x4a: {  	p0 =	sne.s32 s21, $0x9C00;
	_ =	swait.ge [sflag:s18], $0x1000  }
.Ltmp0:
0x4b: {  	[sflag:s18] =	ssyncset.done $0x0;
	(pc) =	sbr.rel @p0 .LBB2_2-.Ltmp0, $4  }
0x4c: {  	s21 =	sadd.s32 $0x2800, s22;
	[sflag:s18] =	ssyncadd.s32 $0xFFFFF000  }
0x4d: {  	[spmem:s3] =	stream.indirect.scatter.add.bf16 [tilespmem:s17], [sflag:$0x2], $0x10, s21, s16, $0xb8;
	[tilespmem:$0xAE90] =	vst v63  }
0x4e: {  	_ =	swait.ge [sflag:s13], $0x1000  }
0x4f: {  	s21 =	smov.u32 s23;
	[sflag:s13] =	ssyncset.done $0x0  }
0x50: {  	s20 =	sshra.s32 s20, $0x2;
	[sflag:s13] =	ssyncadd.s32 $0xFFFFF000  }
0x51: {  	[tilespmem:s17], [sflag:$0x1] =	stream.indirect.gather [spmem:s2], $0x10, s20, s16, $0xb8;
	[tilespmem:$0xAE90] =	vst v63  }
0x52: {  	_ =	swait.ge [sflag:s18], $0x1000  }
0x53: {  	[sflag:s18] =	ssyncset.done $0x0  }
0x54: {  	s20 =	sadd.s32 $0x2800, s20;
	[sflag:s18] =	ssyncadd.s32 $0xFFFFF000  }
0x55: {  	[spmem:s3] =	stream.indirect.scatter.add.bf16 [tilespmem:s17], [sflag:$0x2], $0x10, s20, s16, $0xb8;
	[tilespmem:$0xAE90] =	vst v63  }
0x56: {  	_ =	swait.ge [sflag:s13], $0x1000  }
0x57: {  	s19 =	sadd.s32 $0x1, s19;
	[sflag:s13] =	ssyncset.done $0x0  }
0x58: {  	p0 =	sne.s32 s19, s11;
	[sflag:s13] =	ssyncadd.s32 $0xFFFFF000  }
.Ltmp1:
0x59: {  	[bflag:$0x0] =	sbarrier.arrive $0xFFFF;
	(pc) =	sbr.rel @p0 .LBB2_1-.Ltmp1, $4  }
0x5a: {  	[hbm:s10], [sflag:s7] =	dma.local [spmem:s14], $0x4F0  }
0x5b: {  	_ =	swait.ge [sflag:s13], $0x4F0  }
0x5c: {  	[sflag:s13] =	ssyncset.done $0x0  }
0x5d: {  	[sflag:s13] =	ssyncadd.s32 $0xFFFFFB10  }
0x5e: {  	_ =	sfence.sel $0x180000  }
0x5f: {  	[bflag:$0x0] =	sbarrier.arrive $0xFFFF  }
0x60: {  	p0 =	sne.s32 s0, $0x0;
	_ =	strace $0x9000004D  }
0x61: {  	s0 =	sadd.s32 @!p0 $0x100000, s1;
	[bflag:$0x2] =	sbarrier.arrive $0xFFFF  }
0x62: {  	[sflag:s0] =	ssyncadd.tile.s32 @!p0 $0x1;
	_ =	shalt  }
.Lfunc_end2:
_tile_overlayer_lowered:
.L_overlay_start_2:
0x63: {  	(tag) =	ssettag $0x2  }
0x64: {  	s0 =	rddreg [dreg:$0x0];
	s2 =	stileid.u32  }
0x65: {  	s1 =	rddreg [dreg:$0x1];
	p0 =	sne.s32 s2, $0x0  }
0x66: {  	s3 =	rddreg [dreg:$0x2];
	[bflag:$0x3] =	sbarrier.arrive $0xFFFF;
	s2 =	simm.s32 @!p0 $0x1C02  }
0x67: {  	[timem:s3], [sflag:s2] =	dma.local @!p0 [hbm:s0], s1  }
0x68: {  	s0 =	simm.s32 @!p0 $0x2  }
0x69: {  	_ =	swait.ge @!p0 [sflag:s0], s1  }
0x6a: {  	s1 =	ssub.s32 @!p0 $0x0, s1;
	[sflag:s0] =	ssyncset.done @!p0 $0x0  }
0x6b: {  	[sflag:s0] =	ssyncadd.s32 @!p0 s1  }
0x6c: {  	[bflag:$0x3] =	sbarrier.arrive $0xFFFF  }
0x6d: {  	_ =	shalt  }

// kernel: kernel.8.cloned.1.call-start
scs
__scs_entry_jumppad:
0x0: {  	(pc) =	sbr.rel $0x88, $3  }
0x1: {  	(tag) =	ssettag $0x0;
	lr =	simm.s32 $0x1  }
0x2: {  	[smem:$0x3F99] =	sst lr;
	_ =	strace $0xD0000000  }
0x3: {  	_ = 	snop  }
0x4: {  	_ = 	snop  }
0x5: {  	_ = 	snop  }
0x6: {  	_ = 	snop  }
0x7: {  	_ = 	snop  }
__scs_overlays_trampoline_lowered:
0x8: {  	[smem:$0x3FA8] =	sst s0  }
0x9: {  	[smem:$0x3FA9] =	sst s1  }
0xa: {  	[smem:$0x3FAA] =	sst s2  }
0xb: {  	[smem:$0x3FAB] =	sst s3  }
0xc: {  	[smem:$0x3FAC] =	sst s4  }
0xd: {  	[smem:$0x3FAD] =	sst s5  }
0xe: {  	[smem:$0x3FAE] =	sst s6  }
0xf: {  	[smem:$0x3FAF] =	sst s7  }
0x10: {  	[smem:$0x3FB0] =	sst s8  }
0x11: {  	[smem:$0x3FB1] =	sst s9;
	s0 =	simm.s32 @!p0 $0x0  }
0x12: {  	s1 =	sld [smem:$0x3F97];
	s0 =	simm.s32 @p0 $0x1  }
0x13: {  	[smem:$0x3FB2] =	sst s0;
	s0 =	simm.s32 @!p1 $0x0  }
0x14: {  	s2 =	sld [smem:$0x3F96];
	s0 =	simm.s32 @p1 $0x1  }
0x15: {  	[smem:$0x3FB3] =	sst s0;
	s0 =	simm.s32 @!p2 $0x0  }
0x16: {  	s3 =	sld [smem:$0x3FDB];
	s0 =	simm.s32 @p2 $0x1  }
0x17: {  	s4 =	simm.s32 $0x1BF5;
	[smem:$0x3FB5] =	sst s0  }
0x18: {  	s0 =	sld [smem:$0x3F98];
	_ =	swait.ge [sflag:s4], $0x0  }
0x19: {  	s7 =	sld [smem:$0x3F99]  }
0x1a: {  	s8 =	sadd.s32 $0xFFFFE003, lr  }
0x1b: {  	s9 =	sadd.s32 $0xFFFFFEF7, lr;
	s5 =	simm.s32 $0xFFFFFFFF;
	p2 =	slt.u32 s8, $0xFFFFF086  }
0x1c: {  	p1 =	slt.u32 s9, $0xF7A;
	s5 =	simm.s32 @!p2 $0x0  }
0x1d: {  	s5 =	simm.s32 @p1 $0x1;
	p0 =	seq.s32 s7, s2  }
0x1e: {  	s7 =	smul.u32 @!p0 $0xF7A, s2;
	p2 =	seq.s32 @!p0 s5, $0x0  }
0x1f: {  	s9 =	smul.u32 $0xF7A, s1;
	s8 =	simm.s32 @!p0 $0x1BF5;
	p2 =	por !p2, p0  }
0x20: {  	[sflag:s8] =	ssyncset.s32 @!p0 $0xFFFFF086;
	s6 =	sadd.s32 @!p0 s3, s7;
	s7 =	simm.s32 @!p0 $0x108  }
0x21: {  	s3 =	sadd.s32 s3, s9;
	s6 =	sadd.s32 @!p0 $0x88, s6;
	s7 =	simm.s32 @p2 $0x1082  }
0x22: {  	[simem:s7], [sflag:s8] =	dma.local @!p0 [hbm:s6], $0xF7A  }
0x23: {  	s9 =	sor.u32 $0xD0000000, s2;
	s6 =	simm.s32 $0x108;
	_ =	swait.ge @!p0 [sflag:s8], $0x0  }
0x24: {  	s3 =	sadd.s32 $0x88, s3;
	s6 =	simm.s32 @!p1 $0x1082;
	[sflag:s4] =	ssyncset.s32 $0xFFFFF086  }
0x25: {  	[simem:s6], [sflag:s4] =	dma.local [hbm:s3], $0xF7A  }
0x26: {  	[smem:$0x3F99] =	sst s1;
	(tag) =	ssettag s2;
	_ =	strace s9  }
0x27: {  	s1 =	sld [smem:$0x3FA9]  }
0x28: {  	s2 =	sld [smem:$0x3FAA]  }
0x29: {  	s4 =	sld [smem:$0x3FAC]  }
0x2a: {  	p0 =	seq.s32 s5, $0x0;
	s5 =	sld [smem:$0x3FAD]  }
0x2b: {  	s6 =	sld [smem:$0x3FAE]  }
0x2c: {  	s7 =	sld [smem:$0x3FAF]  }
0x2d: {  	s3 =	simm.s32 $0x108;
	s8 =	sld [smem:$0x3FB0]  }
0x2e: {  	s3 =	simm.s32 @!p0 $0x1082;
	s9 =	sld [smem:$0x3FB1]  }
0x2f: {  	lr =	sadd.s32 s0, s3;
	s0 =	sld [smem:$0x3FA8]  }
0x30: {  	s3 =	sld [smem:$0x3FAB]  }
0x31: {  	[smem:$0x3FB4] =	sst s10  }
0x32: {  	s10 =	sld [smem:$0x3FB2];
	_ =	sdelay $0x3  }
0x33: {  	p0 =	seq.s32 s10, $0x1;
	s10 =	sld [smem:$0x3FB4];
	_ =	sdelay $0x3  }
0x34: {  	[smem:$0x3FB4] =	sst s10  }
0x35: {  	s10 =	sld [smem:$0x3FB3];
	_ =	sdelay $0x3  }
0x36: {  	p1 =	seq.s32 s10, $0x1;
	s10 =	sld [smem:$0x3FB4];
	_ =	sdelay $0x3  }
0x37: {  	[smem:$0x3FB4] =	sst s10  }
0x38: {  	s10 =	sld [smem:$0x3FB5]  }
0x39: {  	_ = 	snop;
	(pc) =	sbr.ind lr, $3  }
0x3a: {  	_ = 	snop  }
0x3b: {  	_ = 	snop  }
0x3c: {  	p2 =	seq.s32 s10, $0x1;
	s10 =	sld [smem:$0x3FB4]  }
0x3d: {  	_ =	shalt  }
0x3e: {  	_ =	shalt  }
0x3f: {  	_ =	shalt  }
0x40: {  	_ =	shalt  }
0x41: {  	_ =	shalt  }
0x42: {  	_ =	shalt  }
0x43: {  	_ =	shalt  }
0x44: {  	_ =	shalt  }
0x45: {  	_ =	shalt  }
0x46: {  	_ =	shalt  }
0x47: {  	_ =	shalt  }
0x48: {  	_ =	shalt  }
0x49: {  	_ =	shalt  }
0x4a: {  	_ =	shalt  }
0x4b: {  	_ =	shalt  }
0x4c: {  	_ =	shalt  }
0x4d: {  	_ =	shalt  }
0x4e: {  	_ =	shalt  }
0x4f: {  	_ =	shalt  }
0x50: {  	_ =	shalt  }
0x51: {  	_ =	shalt  }
0x52: {  	_ =	shalt  }
0x53: {  	_ =	shalt  }
0x54: {  	_ =	shalt  }
0x55: {  	_ =	shalt  }
0x56: {  	_ =	shalt  }
0x57: {  	_ =	shalt  }
0x58: {  	_ =	shalt  }
0x59: {  	_ =	shalt  }
0x5a: {  	_ =	shalt  }
0x5b: {  	_ =	shalt  }
0x5c: {  	_ =	shalt  }
0x5d: {  	_ =	shalt  }
0x5e: {  	_ =	shalt  }
0x5f: {  	_ =	shalt  }
0x60: {  	_ =	shalt  }
0x61: {  	_ =	shalt  }
0x62: {  	_ =	shalt  }
0x63: {  	_ =	shalt  }
0x64: {  	_ =	shalt  }
0x65: {  	_ =	shalt  }
0x66: {  	_ =	shalt  }
0x67: {  	_ =	shalt  }
0x68: {  	_ =	shalt  }
0x69: {  	_ =	shalt  }
0x6a: {  	_ =	shalt  }
0x6b: {  	_ =	shalt  }
0x6c: {  	_ =	shalt  }
0x6d: {  	_ =	shalt  }
0x6e: {  	_ =	shalt  }
0x6f: {  	_ =	shalt  }
0x70: {  	_ =	shalt  }
0x71: {  	_ =	shalt  }
0x72: {  	_ =	shalt  }
0x73: {  	_ =	shalt  }
0x74: {  	_ =	shalt  }
0x75: {  	_ =	shalt  }
0x76: {  	_ =	shalt  }
0x77: {  	_ =	shalt  }
0x78: {  	_ =	shalt  }
0x79: {  	_ =	shalt  }
0x7a: {  	_ =	shalt  }
0x7b: {  	_ =	shalt  }
0x7c: {  	_ =	shalt  }
0x7d: {  	_ =	shalt  }
0x7e: {  	_ =	shalt  }
0x7f: {  	_ =	shalt  }
0x80: {  	_ =	shalt  }
0x81: {  	_ =	shalt  }
0x82: {  	_ =	shalt  }
0x83: {  	_ =	shalt  }
0x84: {  	_ =	shalt  }
0x85: {  	_ =	shalt  }
0x86: {  	_ =	shalt  }
0x87: {  	_ =	shalt  }
.Lfunc_end0:
.L_simem_size_0:
called_computation_lowered:
.L_overlay_start_0:
0x88: {  	s2 =	sld [smem:$0x3FD9]  }
0x89: {  	s3 =	sld [smem:$0x3FFE];
	_ =	sdelay $0x1  }
0x8a: {  	s1 =	srdreg.scid  }
0x8b: {  	s0 =	sand.u32 $0x1, s1  }
0x8c: {  	s16 =	sshll.u32 s0, $0xA;
	s2 =	sadd.s32 s3, s2  }
0x8d: {  	s2 =	sadd.s32 s2, s16  }
0x8e: {  	[smem:$0x3FC0] =	sst s2  }
0x8f: {  	_ = 	snop  }
0x90: {  	(tm) =	ssettm $0x1  }
0x91: {  	s17 =	sld [smem:$0x3FFB];
	_ =	sdelay $0x3  }
0x92: {  	_ =	strace s17  }
0x93: {  	s2 =	sld [smem:$0x3FFC];
	_ =	sdelay $0x3  }
0x94: {  	_ =	strace s2  }
0x95: {  	s2 =	sld [smem:$0x3FFD];
	_ =	sdelay $0x3  }
0x96: {  	_ =	strace s2  }
0x97: {  	_ =	strace $0x8FFFFFFF  }
0x98: {  	s18 =	sld [smem:$0x3FDB];
	_ =	sdelay $0x1  }
0x99: {  	s19 =	simm.s32 $_scs_section_size  }
0x9a: {  	s4 =	simm.s32 $_size__tile_overlayer_lowered;
	s5 =	simm.s32 $_tile_overlayer_lowered  }
0x9b: {  	s22 =	simm.s32 $0x1BFF;
	s21 =	sshll.u32 s5, $0x1;
	s2 =	sadd.s32 s19, s18  }
0x9c: {  	s6 =	simm.s32 $0x0;
	s20 =	sshll.u32 s4, $0x1;
	s4 =	sadd.s32 s21, s2  }
0x9d: {  	[timem:s6], [sflag:s22] =	dma.local [hbm:s4], s20  }
0x9e: {  	_ =	swait.ge [sflag:s22], s20  }
0x9f: {  	s3 =	ssub.s32 $0x0, s20;
	[sflag:s22] =	ssyncset.done $0x0  }
0xa0: {  	[sflag:s22] =	ssyncadd.s32 s3;
	_ =	sdelay $0x1  }
0xa1: {  	s23 =	simm.s32 $0x1B8B  }
0xa2: {  	_ =	swait.ge [sflag:s23], $0x1  }
0xa3: {  	[sflag:s23] =	ssyncset.done $0x0  }
0xa4: {  	s25 =	simm.s32 $0x1B8E;
	s24 =	sld [smem:$0x3FFE];
	[sflag:s23] =	ssyncadd.s32 $0xFFFFFFFF  }
0xa5: {  	s26 =	simm.s32 $execute0_lowered;
	[smem:$0x3FD2] =	sst s25  }
0xa6: {  	s4 =	sshll.u32 s26, $0x1;
	_ =	strace $0x80000046;
	[dreg:$0x1] =	wrdreg $0xFFFFFFFF  }
0xa7: {  	s28 =	simm.s32 $_size_execute0_lowered;
	s2 =	sadd.s32 s2, s4;
	[dreg:$0x0] =	wrdreg $0x0  }
0xa8: {  	s4 =	sshll.u32 s28, $0x1;
	[dreg:$0x2] =	wrdreg s2  }
0xa9: {  	[dreg:$0x3] =	wrdreg s4  }
0xaa: {  	[dreg:$0x4] =	wrdreg $0xC0  }
0xab: {  	_ =	task [dreg:s6], $0x5FFFF  }
0xac: {  	[dreg:$0x1] =	wrdreg $0xFFFFFFFF  }
0xad: {  	[dreg:$0x0] =	wrdreg $0x60  }
0xae: {  	[dreg:$0x2] =	wrdreg s24  }
0xaf: {  	[dreg:$0x3] =	wrdreg $0x38000  }
0xb0: {  	[dreg:$0x4] =	wrdreg $0x9  }
0xb1: {  	_ =	task.clear_ibuf [dreg:s6], $0x5FFFF;
	_ =	strace $0x90000046  }
0xb2: {  	s29 =	simm.s32 $0x9;
	_ =	strace $0x80000048  }
0xb3: {  	_ =	swait.ge [sflag:s29], $0x1  }
0xb4: {  	[sflag:s29] =	ssyncadd.s32 $0xFFFFFFFF  }
0xb5: {  	_ =	strace $0x90000048  }
0xb6: {  	_ =	sfence  }
0xb7: {  	s30 =	sld [smem:$0x0];
	_ =	sdelay $0x2  }
0xb8: {  	s31 =	sshll.u32 s1, $0xD;
	s1 =	sshrl.u32 s1, $0x2  }
0xb9: {  	s3 =	sand.u32 $0x4000, s31;
	s1 =	sadd.s32 s1, s30  }
0xba: {  	s0 =	sor.u32 s3, s0;
	s1 =	sshll.u32 s1, $0x11  }
0xbb: {  	s0 =	sor.u32 s1, s0  }
0xbc: {  	s0 =	sadd.s32 $0x8F2B, s0  }
0xbd: {  	[sflag:s0] =	ssyncadd.remote.s32 $0x1  }
0xbe: {  	_ =	sfence.sel $0xFFFF  }
0xbf: {  	[dreg:$0x0] =	wrdreg $0xFFFFFFFF;
	(pc) =	sbr.abs _section_cstart, $3  }
0xc0: {  	[dreg:$0x1] =	wrdreg $0xFFFFFFFF  }
0xc1: {  	_ =	task.clear_ibuf [dreg:s6], $0x2FFFF;
	_ =	strace $0x9FFFFFFF  }
0xc2: {  	(tm) =	ssettm $0x7FFFFFFF  }
0xc3: {  	_ =	shalt  }
tec
execute0_lowered:
.L_overlay_start_1:
0x0: {  	(tag) =	ssettag $0x1  }
0x1: {  	s25 =	rddreg [dreg:$0x0]  }
0x2: {  	s2 =	rddreg [dreg:$0x1];
	s3 =	simm.s32 $0x0;
	s4 =	srdreg.scid  }
0x3: {  	s1 =	stileid.u32;
	[smem:$0x7FF] =	sst s3  }
0x4: {  	s26 =	sand.u32 $0x1, s4;
	s19 =	sadd.s32 $0x15400, s25;
	s28 =	smul.u32 $0x2780, s1  }
0x5: {  	s23 =	sshll.u32 s1, $0x6;
	s4 =	simm.s32 $0x1;
	_ =	strace $0x80000047  }
0x6: {  	s5 =	sshll.u32 s26, $0x4;
	[dreg:$0x3] =	wrdreg s19;
	s21 =	sshrl.u32 s28, $0x1  }
0x7: {  	s20 =	sor.u32 s1, s5;
	s7 =	rddreg [dreg:$0x3];
	s22 =	sadd.s32 s21, s2  }
0x8: {  	s5 =	sor.u32 $0x1C01, s23;
	s8 =	smul.u32 $0x4E2, s20;
	s6 =	sshrl.u32 s22, $0x3  }
0x9: {  	[spmem:s6], [sflag:s5] =	dma.local [hbm:s7], $0x278  }
0xa: {  	_ =	swait.ge [sflag:s4], $0x278  }
0xb: {  	s24 =	sadd.s32 s8, s25;
	[sflag:s4] =	ssyncset.done $0x0  }
0xc: {  	s8 =	sadd.s32 $0xB600, s24;
	[sflag:s4] =	ssyncadd.s32 $0xFFFFFD88  }
0xd: {  	[tilespmem:s3], [sflag:$0x1] =	stream.linear.gather [hbm4b:s8+s3], $0x2710, $0x38;
	[tilespmem:$0x41E0] =	vst v63  }
0xe: {  	_ =	swait.ge [sflag:s4], $0x2710  }
0xf: {  	[sflag:s4] =	ssyncset.done $0x0  }
0x10: {  	s9 =	sadd.s32 $0x15800, s25;
	s7 =	simm.s32 $0x2800;
	[sflag:s4] =	ssyncadd.s32 $0xFFFFD8F0  }
0x11: {  	[tilespmem:s7], [sflag:$0x1] =	stream.linear.gather [hbm4b:s9+s3], $0x1000, $0x38;
	[tilespmem:$0x41E0] =	vst v63  }
0x12: {  	_ =	swait.ge [sflag:s4], $0x1000  }
0x13: {  	[sflag:s4] =	ssyncset.done $0x0  }
0x14: {  	v0 =	vimm.s32 $0x2710;
	[sflag:s4] =	ssyncadd.s32 $0xFFFFF000  }
0x15: {  	[tilespmem:$0x27F0] =	vst v0  }
0x16: {  	[tilespmem:$0x27E0] =	vst v0  }
0x17: {  	[tilespmem:$0x27D0] =	vst v0  }
0x18: {  	[tilespmem:$0x27C0] =	vst v0  }
0x19: {  	[tilespmem:$0x27B0] =	vst v0  }
0x1a: {  	[tilespmem:$0x27A0] =	vst v0  }
0x1b: {  	[tilespmem:$0x2790] =	vst v0  }
0x1c: {  	[tilespmem:$0x2780] =	vst v0  }
0x1d: {  	[tilespmem:$0x2770] =	vst v0  }
0x1e: {  	[tilespmem:$0x2760] =	vst v0  }
0x1f: {  	[tilespmem:$0x2750] =	vst v0  }
0x20: {  	[tilespmem:$0x2740] =	vst v0  }
0x21: {  	[tilespmem:$0x2730] =	vst v0  }
0x22: {  	[tilespmem:$0x2710] =	vst v0  }
0x23: {  	[tilespmem:$0x2720] =	vst v0  }
0x24: {  	s10 =	simm.s32 $0x200;
	[bflag:$0x0] =	sbarrier.arrive $0xFFFF  }
0x25: {  	[spmem:s2] =	stream.indirect.scatter.add.bf16 [tilespmem:s7], [sflag:$0x1], $0x4, s3, s10, $0xb8;
	[tilespmem:$0x41E0] =	vst v63  }
0x26: {  	_ =	swait.ge [sflag:s4], $0x800  }
0x27: {  	[sflag:s4] =	ssyncset.done $0x0  }
0x28: {  	[sflag:s4] =	ssyncadd.s32 $0xFFFFF800  }
0x29: {  	[spmem:s2] =	stream.indirect.scatter.add.bf16 [tilespmem:s7], [sflag:$0x1], $0x4, s10, s10, $0xb8;
	[tilespmem:$0x41E0] =	vst v63  }
0x2a: {  	_ =	swait.ge [sflag:s4], $0x800  }
0x2b: {  	[sflag:s4] =	ssyncset.done $0x0  }
0x2c: {  	s11 =	simm.s32 $0x400;
	[sflag:s4] =	ssyncadd.s32 $0xFFFFF800  }
0x2d: {  	[spmem:s2] =	stream.indirect.scatter.add.bf16 [tilespmem:s7], [sflag:$0x1], $0x4, s11, s10, $0xb8;
	[tilespmem:$0x41E0] =	vst v63  }
0x2e: {  	_ =	swait.ge [sflag:s4], $0x800  }
0x2f: {  	[sflag:s4] =	ssyncset.done $0x0  }
0x30: {  	s12 =	simm.s32 $0x600;
	[sflag:s4] =	ssyncadd.s32 $0xFFFFF800  }
0x31: {  	[spmem:s2] =	stream.indirect.scatter.add.bf16 [tilespmem:s7], [sflag:$0x1], $0x4, s12, s10, $0xb8;
	[tilespmem:$0x41E0] =	vst v63  }
0x32: {  	_ =	swait.ge [sflag:s4], $0x800  }
0x33: {  	[sflag:s4] =	ssyncset.done $0x0  }
0x34: {  	s13 =	simm.s32 $0x800;
	[sflag:s4] =	ssyncadd.s32 $0xFFFFF800  }
0x35: {  	[spmem:s2] =	stream.indirect.scatter.add.bf16 [tilespmem:s7], [sflag:$0x1], $0x4, s13, s10, $0xb8;
	[tilespmem:$0x41E0] =	vst v63  }
0x36: {  	_ =	swait.ge [sflag:s4], $0x800  }
0x37: {  	[sflag:s4] =	ssyncset.done $0x0  }
0x38: {  	s14 =	simm.s32 $0xA00;
	[sflag:s4] =	ssyncadd.s32 $0xFFFFF800  }
0x39: {  	[spmem:s2] =	stream.indirect.scatter.add.bf16 [tilespmem:s7], [sflag:$0x1], $0x4, s14, s10, $0xb8;
	[tilespmem:$0x41E0] =	vst v63  }
0x3a: {  	_ =	swait.ge [sflag:s4], $0x800  }
0x3b: {  	[sflag:s4] =	ssyncset.done $0x0  }
0x3c: {  	s15 =	simm.s32 $0xC00;
	[sflag:s4] =	ssyncadd.s32 $0xFFFFF800  }
0x3d: {  	[spmem:s2] =	stream.indirect.scatter.add.bf16 [tilespmem:s7], [sflag:$0x1], $0x4, s15, s10, $0xb8;
	[tilespmem:$0x41E0] =	vst v63  }
0x3e: {  	_ =	swait.ge [sflag:s4], $0x800  }
0x3f: {  	[sflag:s4] =	ssyncset.done $0x0  }
0x40: {  	s16 =	simm.s32 $0xE00;
	[sflag:s4] =	ssyncadd.s32 $0xFFFFF800  }
0x41: {  	[spmem:s2] =	stream.indirect.scatter.add.bf16 [tilespmem:s7], [sflag:$0x1], $0x4, s16, s10, $0xb8;
	[tilespmem:$0x41E0] =	vst v63  }
0x42: {  	_ =	swait.ge [sflag:s4], $0x800  }
0x43: {  	[sflag:s4] =	ssyncset.done $0x0  }
0x44: {  	s17 =	simm.s32 $0x1000;
	[sflag:s4] =	ssyncadd.s32 $0xFFFFF800  }
0x45: {  	[spmem:s2] =	stream.indirect.scatter.add.bf16 [tilespmem:s7], [sflag:$0x1], $0x4, s17, s10, $0xb8;
	[tilespmem:$0x41E0] =	vst v63  }
0x46: {  	_ =	swait.ge [sflag:s4], $0x800  }
0x47: {  	[sflag:s4] =	ssyncset.done $0x0  }
0x48: {  	s18 =	simm.s32 $0x1200;
	[sflag:s4] =	ssyncadd.s32 $0xFFFFF800  }
0x49: {  	[spmem:s2] =	stream.indirect.scatter.add.bf16 [tilespmem:s7], [sflag:$0x1], $0x4, s18, s10, $0xb8;
	[tilespmem:$0x41E0] =	vst v63  }
0x4a: {  	_ =	swait.ge [sflag:s4], $0x800  }
0x4b: {  	[sflag:s4] =	ssyncset.done $0x0  }
0x4c: {  	s19 =	simm.s32 $0x1400;
	[sflag:s4] =	ssyncadd.s32 $0xFFFFF800  }
0x4d: {  	[spmem:s2] =	stream.indirect.scatter.add.bf16 [tilespmem:s7], [sflag:$0x1], $0x4, s19, s10, $0xb8;
	[tilespmem:$0x41E0] =	vst v63  }
0x4e: {  	_ =	swait.ge [sflag:s4], $0x800  }
0x4f: {  	[sflag:s4] =	ssyncset.done $0x0  }
0x50: {  	s20 =	simm.s32 $0x1600;
	[sflag:s4] =	ssyncadd.s32 $0xFFFFF800  }
0x51: {  	[spmem:s2] =	stream.indirect.scatter.add.bf16 [tilespmem:s7], [sflag:$0x1], $0x4, s20, s10, $0xb8;
	[tilespmem:$0x41E0] =	vst v63  }
0x52: {  	_ =	swait.ge [sflag:s4], $0x800  }
0x53: {  	[sflag:s4] =	ssyncset.done $0x0  }
0x54: {  	s21 =	simm.s32 $0x1800;
	[sflag:s4] =	ssyncadd.s32 $0xFFFFF800  }
0x55: {  	[spmem:s2] =	stream.indirect.scatter.add.bf16 [tilespmem:s7], [sflag:$0x1], $0x4, s21, s10, $0xb8;
	[tilespmem:$0x41E0] =	vst v63  }
0x56: {  	_ =	swait.ge [sflag:s4], $0x800  }
0x57: {  	[sflag:s4] =	ssyncset.done $0x0  }
0x58: {  	s22 =	simm.s32 $0x1A00;
	[sflag:s4] =	ssyncadd.s32 $0xFFFFF800  }
0x59: {  	[spmem:s2] =	stream.indirect.scatter.add.bf16 [tilespmem:s7], [sflag:$0x1], $0x4, s22, s10, $0xb8;
	[tilespmem:$0x41E0] =	vst v63  }
0x5a: {  	_ =	swait.ge [sflag:s4], $0x800  }
0x5b: {  	[sflag:s4] =	ssyncset.done $0x0  }
0x5c: {  	s29 =	smul.u32 $0x27800, s26;
	s23 =	simm.s32 $0x1C00;
	[sflag:s4] =	ssyncadd.s32 $0xFFFFF800  }
0x5d: {  	[spmem:s2] =	stream.indirect.scatter.add.bf16 [tilespmem:s7], [sflag:$0x1], $0x4, s23, s10, $0xb8;
	[tilespmem:$0x41E0] =	vst v63  }
0x5e: {  	s28 =	sadd.s32 s28, s29;
	_ =	swait.ge [sflag:s4], $0x800  }
0x5f: {  	s29 =	ssub.s32 $0x2, s26;
	s28 =	sshrl.u32 s28, $0x4;
	[sflag:s4] =	ssyncset.done $0x0  }
0x60: {  	s30 =	sshrl.u32 s29, $0x1;
	s24 =	simm.s32 $0x1E00;
	[sflag:s4] =	ssyncadd.s32 $0xFFFFF800  }
0x61: {  	[spmem:s2] =	stream.indirect.scatter.add.bf16 [tilespmem:s7], [sflag:$0x1], $0x4, s24, s10, $0xb8;
	[tilespmem:$0x41E0] =	vst v63  }
0x62: {  	s25 =	sadd.s32 s28, s25;
	s28 =	ssub.s32 s29, s30;
	_ =	swait.ge [sflag:s4], $0x800  }
0x63: {  	s28 =	smax.u32 s28, $0x1;
	[sflag:s4] =	ssyncset.done $0x0  }
0x64: {  	s26 =	simm.s32 $0x2000;
	p0 =	sne.s32 s28, $0x1;
	[sflag:s4] =	ssyncadd.s32 $0xFFFFF800  }
0x65: {  	[spmem:s2] =	stream.indirect.scatter.add.bf16 [tilespmem:s7], [sflag:$0x1], $0x4, s26, s10, $0xb8;
	[tilespmem:$0x41E0] =	vst v63  }
.Ltmp0:
0x66: {  	_ =	swait.ge [sflag:s4], $0x800;
	(pc) =	sbr.rel @!p0 .LBB2_2-.Ltmp0, $4  }
0x67: {  	s29 =	simm.s32 $0x2200;
	[sflag:s4] =	ssyncset.done $0x0  }
0x68: {  	s30 =	simm.s32 $0x2400;
	s25 =	sadd.s32 $0x15A00, s25;
	[sflag:s4] =	ssyncadd.s32 $0xFFFFF800  }
0x69: {  	[spmem:s2] =	stream.indirect.scatter.add.bf16 [tilespmem:s7], [sflag:$0x1], $0x4, s29, s10, $0xb8;
	[tilespmem:$0x41E0] =	vst v63  }
0x6a: {  	s31 =	sadd.s32 $0xFFFFFFFF, s28;
	s28 =	simm.s32 $0x2600;
	_ =	swait.ge [sflag:s4], $0x800  }
.LBB2_1:
0x6b: {  	[sflag:s4] =	ssyncset.done $0x0  }
0x6c: {  	[sflag:s4] =	ssyncadd.s32 $0xFFFFF800  }
0x6d: {  	[spmem:s2] =	stream.indirect.scatter.add.bf16 [tilespmem:s7], [sflag:$0x1], $0x4, s30, s10, $0xb8;
	[tilespmem:$0x41E0] =	vst v63  }
0x6e: {  	_ =	swait.ge [sflag:s4], $0x800  }
0x6f: {  	[sflag:s4] =	ssyncset.done $0x0  }
0x70: {  	[sflag:s4] =	ssyncadd.s32 $0xFFFFF800  }
0x71: {  	[spmem:s2] =	stream.indirect.scatter.add.bf16 [tilespmem:s7], [sflag:$0x1], $0x4, s28, s10, $0xb8;
	[tilespmem:$0x41E0] =	vst v63  }
0x72: {  	_ =	swait.ge [sflag:s4], $0x800  }
0x73: {  	[sflag:s4] =	ssyncset.done $0x0  }
0x74: {  	[sflag:s4] =	ssyncadd.s32 $0xFFFFF800  }
0x75: {  	[bflag:$0x0] =	sbarrier.arrive $0xFFFF  }
0x76: {  	[hbm:s25], [sflag:s5] =	dma.local [spmem:s6], $0x278  }
0x77: {  	_ =	swait.ge [sflag:s4], $0x278  }
0x78: {  	[sflag:s4] =	ssyncset.done $0x0  }
0x79: {  	s0 =	rddreg [dreg:$0x3];
	[sflag:s4] =	ssyncadd.s32 $0xFFFFFD88  }
0x7a: {  	[spmem:s6], [sflag:s5] =	dma.local [hbm:s0], $0x278  }
0x7b: {  	_ =	swait.ge [sflag:s4], $0x278  }
0x7c: {  	[sflag:s4] =	ssyncset.done $0x0  }
0x7d: {  	[sflag:s4] =	ssyncadd.s32 $0xFFFFFD88  }
0x7e: {  	[tilespmem:s3], [sflag:$0x1] =	stream.linear.gather [hbm4b:s8+s3], $0x2710, $0x38;
	[tilespmem:$0x41E0] =	vst v63  }
0x7f: {  	_ =	swait.ge [sflag:s4], $0x2710  }
0x80: {  	[sflag:s4] =	ssyncset.done $0x0  }
0x81: {  	[sflag:s4] =	ssyncadd.s32 $0xFFFFD8F0  }
0x82: {  	[tilespmem:s7], [sflag:$0x1] =	stream.linear.gather [hbm4b:s9+s3], $0x1000, $0x38;
	[tilespmem:$0x41E0] =	vst v63  }
0x83: {  	_ =	swait.ge [sflag:s4], $0x1000  }
0x84: {  	[sflag:s4] =	ssyncset.done $0x0  }
0x85: {  	[sflag:s4] =	ssyncadd.s32 $0xFFFFF000  }
0x86: {  	[tilespmem:$0x27F0] =	vst v0  }
0x87: {  	[tilespmem:$0x27E0] =	vst v0  }
0x88: {  	[tilespmem:$0x27D0] =	vst v0  }
0x89: {  	[tilespmem:$0x27C0] =	vst v0  }
0x8a: {  	[tilespmem:$0x27B0] =	vst v0  }
0x8b: {  	[tilespmem:$0x27A0] =	vst v0  }
0x8c: {  	[tilespmem:$0x2790] =	vst v0  }
0x8d: {  	[tilespmem:$0x2780] =	vst v0  }
0x8e: {  	[tilespmem:$0x2770] =	vst v0  }
0x8f: {  	[tilespmem:$0x2760] =	vst v0  }
0x90: {  	[tilespmem:$0x2750] =	vst v0  }
0x91: {  	[tilespmem:$0x2740] =	vst v0  }
0x92: {  	[tilespmem:$0x2730] =	vst v0  }
0x93: {  	[tilespmem:$0x2710] =	vst v0  }
0x94: {  	[tilespmem:$0x2720] =	vst v0  }
0x95: {  	[bflag:$0x0] =	sbarrier.arrive $0xFFFF  }
0x96: {  	[spmem:s2] =	stream.indirect.scatter.add.bf16 [tilespmem:s7], [sflag:$0x1], $0x4, s3, s10, $0xb8;
	[tilespmem:$0x41E0] =	vst v63  }
0x97: {  	_ =	swait.ge [sflag:s4], $0x800  }
0x98: {  	[sflag:s4] =	ssyncset.done $0x0  }
0x99: {  	[sflag:s4] =	ssyncadd.s32 $0xFFFFF800  }
0x9a: {  	[spmem:s2] =	stream.indirect.scatter.add.bf16 [tilespmem:s7], [sflag:$0x1], $0x4, s10, s10, $0xb8;
	[tilespmem:$0x41E0] =	vst v63  }
0x9b: {  	_ =	swait.ge [sflag:s4], $0x800  }
0x9c: {  	[sflag:s4] =	ssyncset.done $0x0  }
0x9d: {  	[sflag:s4] =	ssyncadd.s32 $0xFFFFF800  }
0x9e: {  	[spmem:s2] =	stream.indirect.scatter.add.bf16 [tilespmem:s7], [sflag:$0x1], $0x4, s11, s10, $0xb8;
	[tilespmem:$0x41E0] =	vst v63  }
0x9f: {  	_ =	swait.ge [sflag:s4], $0x800  }
0xa0: {  	[sflag:s4] =	ssyncset.done $0x0  }
0xa1: {  	[sflag:s4] =	ssyncadd.s32 $0xFFFFF800  }
0xa2: {  	[spmem:s2] =	stream.indirect.scatter.add.bf16 [tilespmem:s7], [sflag:$0x1], $0x4, s12, s10, $0xb8;
	[tilespmem:$0x41E0] =	vst v63  }
0xa3: {  	_ =	swait.ge [sflag:s4], $0x800  }
0xa4: {  	[sflag:s4] =	ssyncset.done $0x0  }
0xa5: {  	[sflag:s4] =	ssyncadd.s32 $0xFFFFF800  }
0xa6: {  	[spmem:s2] =	stream.indirect.scatter.add.bf16 [tilespmem:s7], [sflag:$0x1], $0x4, s13, s10, $0xb8;
	[tilespmem:$0x41E0] =	vst v63  }
0xa7: {  	_ =	swait.ge [sflag:s4], $0x800  }
0xa8: {  	[sflag:s4] =	ssyncset.done $0x0  }
0xa9: {  	[sflag:s4] =	ssyncadd.s32 $0xFFFFF800  }
0xaa: {  	[spmem:s2] =	stream.indirect.scatter.add.bf16 [tilespmem:s7], [sflag:$0x1], $0x4, s14, s10, $0xb8;
	[tilespmem:$0x41E0] =	vst v63  }
0xab: {  	_ =	swait.ge [sflag:s4], $0x800  }
0xac: {  	[sflag:s4] =	ssyncset.done $0x0  }
0xad: {  	[sflag:s4] =	ssyncadd.s32 $0xFFFFF800  }
0xae: {  	[spmem:s2] =	stream.indirect.scatter.add.bf16 [tilespmem:s7], [sflag:$0x1], $0x4, s15, s10, $0xb8;
	[tilespmem:$0x41E0] =	vst v63  }
0xaf: {  	_ =	swait.ge [sflag:s4], $0x800  }
0xb0: {  	[sflag:s4] =	ssyncset.done $0x0  }
0xb1: {  	[sflag:s4] =	ssyncadd.s32 $0xFFFFF800  }
0xb2: {  	[spmem:s2] =	stream.indirect.scatter.add.bf16 [tilespmem:s7], [sflag:$0x1], $0x4, s16, s10, $0xb8;
	[tilespmem:$0x41E0] =	vst v63  }
0xb3: {  	_ =	swait.ge [sflag:s4], $0x800  }
0xb4: {  	[sflag:s4] =	ssyncset.done $0x0  }
0xb5: {  	[sflag:s4] =	ssyncadd.s32 $0xFFFFF800  }
0xb6: {  	[spmem:s2] =	stream.indirect.scatter.add.bf16 [tilespmem:s7], [sflag:$0x1], $0x4, s17, s10, $0xb8;
	[tilespmem:$0x41E0] =	vst v63  }
0xb7: {  	_ =	swait.ge [sflag:s4], $0x800  }
0xb8: {  	[sflag:s4] =	ssyncset.done $0x0  }
0xb9: {  	[sflag:s4] =	ssyncadd.s32 $0xFFFFF800  }
0xba: {  	[spmem:s2] =	stream.indirect.scatter.add.bf16 [tilespmem:s7], [sflag:$0x1], $0x4, s18, s10, $0xb8;
	[tilespmem:$0x41E0] =	vst v63  }
0xbb: {  	_ =	swait.ge [sflag:s4], $0x800  }
0xbc: {  	[sflag:s4] =	ssyncset.done $0x0  }
0xbd: {  	[sflag:s4] =	ssyncadd.s32 $0xFFFFF800  }
0xbe: {  	[spmem:s2] =	stream.indirect.scatter.add.bf16 [tilespmem:s7], [sflag:$0x1], $0x4, s19, s10, $0xb8;
	[tilespmem:$0x41E0] =	vst v63  }
0xbf: {  	_ =	swait.ge [sflag:s4], $0x800  }
0xc0: {  	[sflag:s4] =	ssyncset.done $0x0  }
0xc1: {  	[sflag:s4] =	ssyncadd.s32 $0xFFFFF800  }
0xc2: {  	[spmem:s2] =	stream.indirect.scatter.add.bf16 [tilespmem:s7], [sflag:$0x1], $0x4, s20, s10, $0xb8;
	[tilespmem:$0x41E0] =	vst v63  }
0xc3: {  	_ =	swait.ge [sflag:s4], $0x800  }
0xc4: {  	[sflag:s4] =	ssyncset.done $0x0  }
0xc5: {  	[sflag:s4] =	ssyncadd.s32 $0xFFFFF800  }
0xc6: {  	[spmem:s2] =	stream.indirect.scatter.add.bf16 [tilespmem:s7], [sflag:$0x1], $0x4, s21, s10, $0xb8;
	[tilespmem:$0x41E0] =	vst v63  }
0xc7: {  	_ =	swait.ge [sflag:s4], $0x800  }
0xc8: {  	[sflag:s4] =	ssyncset.done $0x0  }
0xc9: {  	[sflag:s4] =	ssyncadd.s32 $0xFFFFF800  }
0xca: {  	[spmem:s2] =	stream.indirect.scatter.add.bf16 [tilespmem:s7], [sflag:$0x1], $0x4, s22, s10, $0xb8;
	[tilespmem:$0x41E0] =	vst v63  }
0xcb: {  	_ =	swait.ge [sflag:s4], $0x800  }
0xcc: {  	[sflag:s4] =	ssyncset.done $0x0  }
0xcd: {  	[sflag:s4] =	ssyncadd.s32 $0xFFFFF800  }
0xce: {  	[spmem:s2] =	stream.indirect.scatter.add.bf16 [tilespmem:s7], [sflag:$0x1], $0x4, s23, s10, $0xb8;
	[tilespmem:$0x41E0] =	vst v63  }
0xcf: {  	_ =	swait.ge [sflag:s4], $0x800  }
0xd0: {  	[sflag:s4] =	ssyncset.done $0x0  }
0xd1: {  	[sflag:s4] =	ssyncadd.s32 $0xFFFFF800  }
0xd2: {  	[spmem:s2] =	stream.indirect.scatter.add.bf16 [tilespmem:s7], [sflag:$0x1], $0x4, s24, s10, $0xb8;
	[tilespmem:$0x41E0] =	vst v63  }
0xd3: {  	_ =	swait.ge [sflag:s4], $0x800  }
0xd4: {  	[sflag:s4] =	ssyncset.done $0x0  }
0xd5: {  	p0 =	sne.s32 s31, $0x1;
	[sflag:s4] =	ssyncadd.s32 $0xFFFFF800  }
0xd6: {  	[spmem:s2] =	stream.indirect.scatter.add.bf16 [tilespmem:s7], [sflag:$0x1], $0x4, s26, s10, $0xb8;
	[tilespmem:$0x41E0] =	vst v63  }
.Ltmp1:
0xd7: {  	_ =	swait.ge [sflag:s4], $0x800;
	(pc) =	sbr.rel @p0 .LBB2_1-.Ltmp1, $4  }
0xd8: {  	[sflag:s4] =	ssyncset.done $0x0  }
0xd9: {  	[sflag:s4] =	ssyncadd.s32 $0xFFFFF800  }
0xda: {  	[spmem:s2] =	stream.indirect.scatter.add.bf16 [tilespmem:s7], [sflag:$0x1], $0x4, s29, s10, $0xb8;
	[tilespmem:$0x41E0] =	vst v63  }
0xdb: {  	s31 =	sadd.s32 $0xFFFFFFFF, s31;
	_ =	swait.ge [sflag:s4], $0x800  }
.LBB2_2:
0xdc: {  	[sflag:s4] =	ssyncset.done $0x0  }
0xdd: {  	[sflag:s4] =	ssyncadd.s32 $0xFFFFF800  }
0xde: {  	[spmem:s2] =	stream.indirect.scatter.add.bf16 [tilespmem:s7], [sflag:$0x1], $0x4, s30, s10, $0xb8;
	[tilespmem:$0x41E0] =	vst v63  }
0xdf: {  	_ =	swait.ge [sflag:s4], $0x800  }
0xe0: {  	[sflag:s4] =	ssyncset.done $0x0  }
0xe1: {  	[sflag:s4] =	ssyncadd.s32 $0xFFFFF800  }
0xe2: {  	[spmem:s2] =	stream.indirect.scatter.add.bf16 [tilespmem:s7], [sflag:$0x1], $0x4, s28, s10, $0xb8;
	[tilespmem:$0x41E0] =	vst v63  }
0xe3: {  	_ =	swait.ge [sflag:s4], $0x800  }
0xe4: {  	[sflag:s4] =	ssyncset.done $0x0  }
0xe5: {  	[sflag:s4] =	ssyncadd.s32 $0xFFFFF800  }
0xe6: {  	[bflag:$0x0] =	sbarrier.arrive $0xFFFF  }
0xe7: {  	[hbm:s25], [sflag:s5] =	dma.local [spmem:s6], $0x278  }
0xe8: {  	_ =	swait.ge [sflag:s4], $0x278  }
0xe9: {  	[sflag:s4] =	ssyncset.done $0x0  }
0xea: {  	[sflag:s4] =	ssyncadd.s32 $0xFFFFFD88  }
0xeb: {  	_ =	sfence.sel $0x180000  }
0xec: {  	[bflag:$0x0] =	sbarrier.arrive $0xFFFF  }
0xed: {  	_ =	strace $0x90000047  }
0xee: {  	[bflag:$0x2] =	sbarrier.arrive $0xFFFF  }
0xef: {  	p0 =	sne.s32 s1, $0x0;
	s0 =	rddreg [dreg:$0x2]  }
0xf0: {  	s0 =	sadd.s32 @!p0 $0x100000, s0  }
0xf1: {  	[sflag:s0] =	ssyncadd.tile.s32 @!p0 $0x1;
	_ =	shalt  }
.Lfunc_end2:
_tile_overlayer_lowered:
.L_overlay_start_2:
0xf2: {  	(tag) =	ssettag $0x2  }
0xf3: {  	s0 =	rddreg [dreg:$0x0];
	s2 =	stileid.u32  }
0xf4: {  	s1 =	rddreg [dreg:$0x1];
	p0 =	sne.s32 s2, $0x0  }
0xf5: {  	s3 =	rddreg [dreg:$0x2];
	[bflag:$0x3] =	sbarrier.arrive $0xFFFF;
	s2 =	simm.s32 @!p0 $0x1C01  }
0xf6: {  	[timem:s3], [sflag:s2] =	dma.local @!p0 [hbm:s0], s1  }
0xf7: {  	s0 =	simm.s32 @!p0 $0x1  }
0xf8: {  	_ =	swait.ge @!p0 [sflag:s0], s1  }
0xf9: {  	s1 =	ssub.s32 @!p0 $0x0, s1;
	[sflag:s0] =	ssyncset.done @!p0 $0x0  }
0xfa: {  	[sflag:s0] =	ssyncadd.s32 @!p0 s1  }
0xfb: {  	[bflag:$0x3] =	sbarrier.arrive $0xFFFF  }
0xfc: {  	_ =	shalt  }

</sc_bundles>
